<compile_context>
chip_gen: v7x
topology: tpu7x:2x2x1
jax: 0.10.2.dev20260603
libtpu: 0.0.44.dev20260713+nightly
codegen_flags: <defaults>
</compile_context>

<pallas_src>
import functools

import jax
import jax.numpy as jnp
from jax import lax
from jax.experimental import pallas as pl
from jax.experimental.pallas import tpu as pltpu
from jax.experimental.pallas import tpu_sc as plsc

_NUM_CORES = 2
_NUM_SUBCORES = 16
_NW = _NUM_CORES * _NUM_SUBCORES
_LANES = 16


def _moba_sc_kernel(H, S, K, bs):
    C = 5
    ST = S // 128
    run_w = 128
    n_runs = H * C * ST * K
    runs_per_tile = n_runs // _NW
    runs_per_h = C * ST * K
    out_chunk = runs_per_tile * run_w
    plane_w = K * S
    bs_bits = (bs - 1).bit_length()

    mesh = plsc.VectorSubcoreMesh(core_axis_name="c", subcore_axis_name="s")

    @functools.partial(
        pl.kernel,
        out_type=jax.ShapeDtypeStruct((n_runs * run_w,), jnp.int32),
        mesh=mesh,
        compiler_params=pltpu.CompilerParams(needs_layout_passes=False),
        scratch_types=[
            pltpu.VMEM((plane_w,), jnp.int32),
            pltpu.VMEM((out_chunk,), jnp.int32),
            pltpu.SemaphoreType.DMA,
            pltpu.SemaphoreType.DMA,
        ],
    )
    def k_fn(topk_hbm, out_hbm, topk_v, out_v, in_sem, out_sem):
        wid = lax.axis_index("s") * _NUM_CORES + lax.axis_index("c")
        run0 = wid * runs_per_tile
        h34 = jnp.clip((run0 + runs_per_tile - 1 - 3 * ST * K) // runs_per_h, 0, H - 1)
        in_cp = pltpu.async_copy(
            topk_hbm.at[pl.ds(h34 * plane_w, plane_w)], topk_v, in_sem
        )

        lane = lax.broadcasted_iota(jnp.int32, (_LANES,), 0)
        zeros = jnp.zeros((_LANES,), jnp.int32)
        chunk_w = 16 * run_w
        n_chunks = runs_per_tile * run_w // chunk_w

        def chunk_body(e, waited):
            chi = wid * n_chunks + e
            rem = chi % (runs_per_h // 16)
            h = chi // (runs_per_h // 16)
            c = rem // (ST * K // 16)
            st0 = (rem % (ST * K // 16)) * 2
            base = e * chunk_w
            src0 = st0 * (K * 128)

            need = c >= 3
            pl.when((waited == 0) & need)(in_cp.wait)

            def fill(vec_of):
                def b(t):
                    for uu in range(8):
                        out_v[pl.ds(base + t * 128 + uu * 16, _LANES)] = vec_of(t, uu)
                plsc.parallel_loop(0, 16, unroll=2)(b)

            def xform(extra):
                def b(t):
                    for uu in range(8):
                        off = t * 128 + uu * 16
                        blk = topk_v[pl.ds(src0 + off, _LANES)]
                        out_v[pl.ds(base + off, _LANES)] = (blk << bs_bits) + extra
                plsc.parallel_loop(0, 16, unroll=2)(b)

            hv = zeros + h
            sb = st0 * 128
            pl.when(c == 0)(lambda: fill(lambda t, uu: zeros))
            pl.when(c == 1)(lambda: fill(lambda t, uu: hv))
            pl.when(c == 2)(
                lambda: fill(lambda t, uu: sb + (t >> 3) * 128 + (uu * 16 + lane))
            )
            pl.when(c == 3)(lambda: xform(0))
            pl.when(c == 4)(lambda: xform(bs))
            pltpu.async_copy(
                out_v.at[pl.ds(base, chunk_w)],
                out_hbm.at[pl.ds(wid * out_chunk + base, chunk_w)],
                out_sem,
            )
            return waited | need.astype(jnp.int32)

        waited = lax.fori_loop(0, n_chunks, chunk_body, jnp.int32(0))
        pl.when(waited == 0)(in_cp.wait)
        for e in range(n_chunks):
            pltpu.make_async_copy(
                out_v.at[pl.ds(e * chunk_w, chunk_w)],
                out_hbm.at[pl.ds(wid * out_chunk + e * chunk_w, chunk_w)],
                out_sem,
            ).wait()

    return k_fn


def _selfvalid_tc_kernel(H, S, K, bs):
    R = H * S
    grid = 8
    col = R // grid
    scol = S // grid
    s_bits = (S - 1).bit_length()
    bs_bits = (bs - 1).bit_length()

    def body(topk_ref, self_ref, valid_ref):
        ct = pl.program_id(0)
        r = ct * col + lax.broadcasted_iota(jnp.int32, (5, col), 1)
        c = lax.broadcasted_iota(jnp.int32, (5, col), 0)
        i = r & (S - 1)
        self_ref[...] = (
            jnp.where(c == 1, r >> s_bits, 0)
            + jnp.where(c == 2, i, 0)
            + jnp.where(c == 3, i & ~(bs - 1), 0)
            + jnp.where(c == 4, i + 1, 0)
        )
        s = ct * scol + lax.broadcasted_iota(jnp.int32, (H * K, scol), 1)
        valid_ref[...] = (topk_ref[...] < (s >> bs_bits)).astype(jnp.int8)

    return pl.pallas_call(
        body,
        grid=(grid,),
        in_specs=[pl.BlockSpec((H * K, scol), lambda ct: (0, ct))],
        out_specs=[
            pl.BlockSpec((5, col), lambda ct: (0, ct)),
            pl.BlockSpec((H * K, scol), lambda ct: (0, ct)),
        ],
        out_shape=[
            jax.ShapeDtypeStruct((5, R), jnp.int32),
            jax.ShapeDtypeStruct((H * K, S), jnp.int8),
        ],
    )


def kernel(q, k, v, topk_indices, query_block_indices, block_size, seq_len):
    B, H, S, _ = q.shape
    K = topk_indices.shape[-1]
    bs = 128
    del block_size, seq_len
    assert B == 1
    ST = S // 128

    topk_runs = (
        topk_indices[0].reshape(H, ST, 128, K).transpose(0, 1, 3, 2).reshape(-1)
    )
    topk_rows = topk_indices[0].transpose(0, 2, 1).reshape(H * K, S)

    moba_flat = _moba_sc_kernel(H, S, K, bs)(topk_runs)
    self_plane, valid_i8 = _selfvalid_tc_kernel(H, S, K, bs)(topk_rows)

    self_arr = self_plane.T
    moba_arr = (
        moba_flat.reshape(H, 5, ST, K, 128)
        .transpose(0, 2, 4, 3, 1)
        .reshape(H, S, K, 5)[None]
    )
    moba_valid = (
        valid_i8.astype(jnp.bool_).reshape(H, K, S).transpose(0, 2, 1)[None]
    )
    return self_arr, moba_arr, moba_valid

# --- scband reference (transcript-rebuilt; emitter-appended) ---
"""Pipeline reference for scband-block-selector-79087527788599 (READ-ONLY COPY).

The authoritative reference and input builder live on the scoring server;
editing this copy changes nothing except your own understanding.
"""

import jax, jax.numpy as jnp
import numpy as np


def setup_inputs(seed: int = 0) -> dict:
    key = jax.random.key(seed)
    k1, k2, k3, k4, k5 = jax.random.split(key, 5)
    B, H, S, D, K = 1, 12, 2048, 64, 8
    block_size = 128
    num_blocks = S // block_size
    q = jax.random.normal(k1, (B, H, S, D), dtype=jnp.float32)
    k = jax.random.normal(k2, (B, H, S, D), dtype=jnp.float32)
    v = jax.random.normal(k3, (B, H, S, D), dtype=jnp.float32)
    topk_indices = jax.random.randint(k4, (B, H, S, K), 0, num_blocks).astype(jnp.int32)
    query_block_indices = jax.random.randint(k5, (B, H, S), 0, num_blocks).astype(jnp.int32)
    return {
        "q": q, "k": k, "v": v,
        "topk_indices": topk_indices,
        "query_block_indices": query_block_indices,
        "block_size": block_size,
        "seq_len": S,
    }


def reference(q, k, v, topk_indices, query_block_indices, block_size, seq_len):
    # Faithful translation of the python triple loop into dense array form.
    # Original returns two lists of (b, h, i, start, end) tuples.
    # Here: self_arr [B*H*S, 5] (always valid, same row-major b,h,i order),
    #       moba_arr [B, H, S, K, 5] + moba_valid mask [B, H, S, K]
    #       (valid iff block_idx < current_block_idx, matching the 'continue'
    #        that skips block_idx == current or block_idx > current).
    B, H = q.shape[0], q.shape[1]
    K = topk_indices.shape[-1]
    S = q.shape[2]
    i = jnp.arange(S, dtype=jnp.int32)
    cur_blk = i // block_size
    cur_start = cur_blk * block_size
    cur_end = jnp.minimum((cur_blk + 1) * block_size, seq_len)
    self_end = jnp.minimum(i + 1, cur_end)

    b_idx = jnp.arange(B, dtype=jnp.int32)[:, None, None]
    h_idx = jnp.arange(H, dtype=jnp.int32)[None, :, None]
    z = jnp.zeros((B, H, S), dtype=jnp.int32)
    self_arr = jnp.stack([
        b_idx + z,
        h_idx + z,
        i[None, None, :] + z,
        cur_start[None, None, :] + z,
        self_end[None, None, :] + z,
    ], axis=-1).reshape(B * H * S, 5)

    blk = topk_indices.astype(jnp.int32)  # [B, H, S, K]
    moba_valid = blk < cur_blk[None, None, :, None]
    blk_start = blk * block_size
    blk_end = jnp.minimum((blk + 1) * block_size, seq_len)
    zk = jnp.zeros((B, H, S, K), dtype=jnp.int32)
    moba_arr = jnp.stack([
        b_idx[..., None] + zk,
        h_idx[..., None] + zk,
        i[None, None, :, None] + zk,
        blk_start,
        blk_end,
    ], axis=-1)
    return self_arr, moba_arr, moba_valid

if __name__ == "__main__":
    import jax
    _d = setup_inputs()
    print(jax.jit(kernel)(*tuple(_d.values())))

</pallas_src>

<mosaic_0001>
#map = affine_map<(d0, d1) -> (0)>
module attributes {stable_mosaic.version = 14 : i64} {
  func.func @k_fn(%arg0: i32, %arg1: i32, %arg2: memref<196608xi32, #tpu.memory_space<hbm>>, %arg3: memref<983040xi32, #tpu.memory_space<hbm>>, %arg4: memref<16384xi32, #tpu.memory_space<vmem>>, %arg5: memref<30720xi32, #tpu.memory_space<vmem>>, %arg6: memref<!tpu.dma_semaphore, #tpu.memory_space<semaphore_mem>>, %arg7: memref<!tpu.dma_semaphore, #tpu.memory_space<semaphore_mem>>) attributes {dimension_semantics = [#tpu.dimension_semantics<core_parallel>, #tpu.dimension_semantics<subcore_parallel>], iteration_bounds = array<i64: 2, 16>, scalar_prefetch = 0 : i64, scratch_operands = 4 : i64, tpu.core_type = #tpu.core_type<sc_vector_subcore>, window_params = [{transform_indices = #map}, {transform_indices = #map}]} {
    %mul3A = arith.constant 2 : i32
    %mul3A_0 = arith.muli %arg1, %mul3A : i32
    %add3A = arith.addi %mul3A_0, %arg0 : i32
    %mul3A_1 = arith.constant 240 : i32
    %mul3A_2 = arith.muli %add3A, %mul3A_1 : i32
    %add3A_3 = arith.constant 240 : i32
    %add3A_4 = arith.addi %mul3A_2, %add3A_3 : i32
    %sub3A = arith.constant 1 : i32
    %sub3A_5 = arith.subi %add3A_4, %sub3A : i32
    %sub3A_6 = arith.constant 384 : i32
    %sub3A_7 = arith.subi %sub3A_5, %sub3A_6 : i32
    %jit3A = arith.constant 640 : i32
    %div3A = arith.divsi %sub3A_7, %jit3A : i32
    %sign3A = arith.constant 0 : i32
    %sign3A_8 = arith.cmpi sgt, %sub3A_7, %sign3A : i32
    %sign3A_9 = arith.extui %sign3A_8 : i1 to i32
    %sign3A_10 = arith.constant 0 : i32
    %sign3A_11 = arith.cmpi slt, %sub3A_7, %sign3A_10 : i32
    %sign3A_12 = arith.extui %sign3A_11 : i1 to i32
    %sign3A_13 = arith.subi %sign3A_9, %sign3A_12 : i32
    %sign3A_14 = arith.constant 0 : i32
    %sign3A_15 = arith.cmpi sgt, %jit3A, %sign3A_14 : i32
    %sign3A_16 = arith.extui %sign3A_15 : i1 to i32
    %sign3A_17 = arith.constant 0 : i32
    %sign3A_18 = arith.cmpi slt, %jit3A, %sign3A_17 : i32
    %sign3A_19 = arith.extui %sign3A_18 : i1 to i32
    %sign3A_20 = arith.subi %sign3A_16, %sign3A_19 : i32
    %ne3A = arith.cmpi ne, %sign3A_13, %sign3A_20 : i32
    %rem3A = arith.remsi %sub3A_7, %jit3A : i32
    %ne3A_21 = arith.constant 0 : i32
    %ne3A_22 = arith.cmpi ne, %rem3A, %ne3A_21 : i32
    %and3A = arith.andi %ne3A, %ne3A_22 : i1
    %sub3A_23 = arith.constant 1 : i32
    %sub3A_24 = arith.subi %div3A, %sub3A_23 : i32
    %select_n3A = arith.select %and3A, %sub3A_24, %div3A : i32
    %jit3A_25 = arith.constant 0 : i32
    %jit3A_26 = arith.constant 11 : i32
    %max3A = arith.maxsi %jit3A_25, %select_n3A : i32
    %min3A = arith.minsi %jit3A_26, %max3A : i32
    %mul3A_27 = arith.constant 16384 : i32
    %mul3A_28 = arith.muli %min3A, %mul3A_27 : i32
    %dma_start3A = tpu.memref_slice %arg2[%mul3A_28] : memref<196608xi32, #tpu.memory_space<hbm>> -> memref<16384xi32, #tpu.memory_space<hbm>>
    %dma_start3A_29 = tpu.memref_slice %arg2[%mul3A_28] : memref<196608xi32, #tpu.memory_space<hbm>> -> memref<16384xi32, #tpu.memory_space<hbm>>
    tpu.enqueue_dma source(%dma_start3A_29 : memref<16384xi32, #tpu.memory_space<hbm>>) target(%arg4 : memref<16384xi32, #tpu.memory_space<vmem>>) target_semaphore(%arg6 : memref<!tpu.dma_semaphore, #tpu.memory_space<semaphore_mem>>)
    %iota3A = tpu.iota {dimensions = array<i32: 0>} : vector<16xi32>
    %broadcast_in_dim3A = arith.constant 0 : i32
    %broadcast_in_dim3A_30 = vector.broadcast %broadcast_in_dim3A : i32 to vector<16xi32>
    %scan3A = arith.constant 0 : i32
    %scan3A_31 = arith.constant 0 : i32
    %scan3A_32 = arith.constant 15 : i32
    %scan3A_33 = arith.addi %scan3A_31, %scan3A_32 : i32
    %scan3A_34 = arith.constant 1 : i32
    %scan3A_35 = scf.for %scan3A_188 = %scan3A_31 to %scan3A_33 step %scan3A_34 iter_args(%scan3A_189 = %scan3A) -> (i32)  : i32 {
      %mul3A_190 = arith.constant 15 : i32
      %mul3A_191 = arith.muli %add3A, %mul3A_190 : i32
      %add3A_192 = arith.addi %mul3A_191, %scan3A_188 : i32
      %jit3A_193 = arith.constant 40 : i32
      %eq3A_194 = arith.constant 0 : i32
      %eq3A_195 = arith.cmpi eq, %jit3A_193, %eq3A_194 : i32
      %jit3A_196 = arith.constant 1 : i32
      %select_n3A_197 = arith.select %eq3A_195, %jit3A_196, %jit3A_193 : i32
      %rem3A_198 = arith.remsi %add3A_192, %select_n3A_197 : i32
      %ne3A_199 = arith.constant 0 : i32
      %ne3A_200 = arith.cmpi ne, %rem3A_198, %ne3A_199 : i32
      %lt3A = arith.constant 0 : i32
      %lt3A_201 = arith.cmpi slt, %rem3A_198, %lt3A : i32
      %lt3A_202 = arith.constant 0 : i32
      %lt3A_203 = arith.cmpi slt, %select_n3A_197, %lt3A_202 : i32
      %ne3A_204 = arith.xori %lt3A_201, %lt3A_203 : i1
      %and3A_205 = arith.andi %ne3A_204, %ne3A_200 : i1
      %add3A_206 = arith.addi %rem3A_198, %select_n3A_197 : i32
      %select_n3A_207 = arith.select %and3A_205, %add3A_206, %rem3A_198 : i32
      %jit3A_208 = arith.constant 40 : i32
      %div3A_209 = arith.divsi %add3A_192, %jit3A_208 : i32
      %sign3A_210 = arith.constant 0 : i32
      %sign3A_211 = arith.cmpi sgt, %add3A_192, %sign3A_210 : i32
      %sign3A_212 = arith.extui %sign3A_211 : i1 to i32
      %sign3A_213 = arith.constant 0 : i32
      %sign3A_214 = arith.cmpi slt, %add3A_192, %sign3A_213 : i32
      %sign3A_215 = arith.extui %sign3A_214 : i1 to i32
      %sign3A_216 = arith.subi %sign3A_212, %sign3A_215 : i32
      %sign3A_217 = arith.constant 0 : i32
      %sign3A_218 = arith.cmpi sgt, %jit3A_208, %sign3A_217 : i32
      %sign3A_219 = arith.extui %sign3A_218 : i1 to i32
      %sign3A_220 = arith.constant 0 : i32
      %sign3A_221 = arith.cmpi slt, %jit3A_208, %sign3A_220 : i32
      %sign3A_222 = arith.extui %sign3A_221 : i1 to i32
      %sign3A_223 = arith.subi %sign3A_219, %sign3A_222 : i32
      %ne3A_224 = arith.cmpi ne, %sign3A_216, %sign3A_223 : i32
      %rem3A_225 = arith.remsi %add3A_192, %jit3A_208 : i32
      %ne3A_226 = arith.constant 0 : i32
      %ne3A_227 = arith.cmpi ne, %rem3A_225, %ne3A_226 : i32
      %and3A_228 = arith.andi %ne3A_224, %ne3A_227 : i1
      %sub3A_229 = arith.constant 1 : i32
      %sub3A_230 = arith.subi %div3A_209, %sub3A_229 : i32
      %select_n3A_231 = arith.select %and3A_228, %sub3A_230, %div3A_209 : i32
      %jit3A_232 = arith.constant 8 : i32
      %div3A_233 = arith.divsi %select_n3A_207, %jit3A_232 : i32
      %sign3A_234 = arith.constant 0 : i32
      %sign3A_235 = arith.cmpi sgt, %select_n3A_207, %sign3A_234 : i32
      %sign3A_236 = arith.extui %sign3A_235 : i1 to i32
      %sign3A_237 = arith.constant 0 : i32
      %sign3A_238 = arith.cmpi slt, %select_n3A_207, %sign3A_237 : i32
      %sign3A_239 = arith.extui %sign3A_238 : i1 to i32
      %sign3A_240 = arith.subi %sign3A_236, %sign3A_239 : i32
      %sign3A_241 = arith.constant 0 : i32
      %sign3A_242 = arith.cmpi sgt, %jit3A_232, %sign3A_241 : i32
      %sign3A_243 = arith.extui %sign3A_242 : i1 to i32
      %sign3A_244 = arith.constant 0 : i32
      %sign3A_245 = arith.cmpi slt, %jit3A_232, %sign3A_244 : i32
      %sign3A_246 = arith.extui %sign3A_245 : i1 to i32
      %sign3A_247 = arith.subi %sign3A_243, %sign3A_246 : i32
      %ne3A_248 = arith.cmpi ne, %sign3A_240, %sign3A_247 : i32
      %rem3A_249 = arith.remsi %select_n3A_207, %jit3A_232 : i32
      %ne3A_250 = arith.constant 0 : i32
      %ne3A_251 = arith.cmpi ne, %rem3A_249, %ne3A_250 : i32
      %and3A_252 = arith.andi %ne3A_248, %ne3A_251 : i1
      %sub3A_253 = arith.constant 1 : i32
      %sub3A_254 = arith.subi %div3A_233, %sub3A_253 : i32
      %select_n3A_255 = arith.select %and3A_252, %sub3A_254, %div3A_233 : i32
      %jit3A_256 = arith.constant 8 : i32
      %eq3A_257 = arith.constant 0 : i32
      %eq3A_258 = arith.cmpi eq, %jit3A_256, %eq3A_257 : i32
      %jit3A_259 = arith.constant 1 : i32
      %select_n3A_260 = arith.select %eq3A_258, %jit3A_259, %jit3A_256 : i32
      %rem3A_261 = arith.remsi %select_n3A_207, %select_n3A_260 : i32
      %ne3A_262 = arith.constant 0 : i32
      %ne3A_263 = arith.cmpi ne, %rem3A_261, %ne3A_262 : i32
      %lt3A_264 = arith.constant 0 : i32
      %lt3A_265 = arith.cmpi slt, %rem3A_261, %lt3A_264 : i32
      %lt3A_266 = arith.constant 0 : i32
      %lt3A_267 = arith.cmpi slt, %select_n3A_260, %lt3A_266 : i32
      %ne3A_268 = arith.xori %lt3A_265, %lt3A_267 : i1
      %and3A_269 = arith.andi %ne3A_268, %ne3A_263 : i1
      %add3A_270 = arith.addi %rem3A_261, %select_n3A_260 : i32
      %select_n3A_271 = arith.select %and3A_269, %add3A_270, %rem3A_261 : i32
      %mul3A_272 = arith.constant 2 : i32
      %mul3A_273 = arith.muli %select_n3A_271, %mul3A_272 : i32
      %mul3A_274 = arith.constant 2048 : i32
      %mul3A_275 = arith.muli %scan3A_188, %mul3A_274 : i32
      %mul3A_276 = arith.constant 1024 : i32
      %mul3A_277 = arith.muli %mul3A_273, %mul3A_276 : i32
      %ge3A = arith.constant 3 : i32
      %ge3A_278 = arith.cmpi sge, %select_n3A_255, %ge3A : i32
      %eq3A_279 = arith.constant 0 : i32
      %eq3A_280 = arith.cmpi eq, %scan3A_189, %eq3A_279 : i32
      %and3A_281 = arith.andi %eq3A_280, %ge3A_278 : i1
      %convert_element_type3A_282 = arith.extui %and3A_281 : i1 to i32
      %cond3A_283 = arith.constant 0 : i32
      %cond3A_284 = arith.cmpi ne, %convert_element_type3A_282, %cond3A_283 : i32
      scf.if %cond3A_284 {
        %dma_wait3A_322 = tpu.memref_slice %arg2[%mul3A_28] : memref<196608xi32, #tpu.memory_space<hbm>> -> memref<16384xi32, #tpu.memory_space<hbm>>
        %dma_wait3A_323 = tpu.memref_slice %arg2[%mul3A_28] : memref<196608xi32, #tpu.memory_space<hbm>> -> memref<16384xi32, #tpu.memory_space<hbm>>
        tpu.wait_dma2 semaphore(%arg6 : memref<!tpu.dma_semaphore, #tpu.memory_space<semaphore_mem>>) src(%dma_wait3A_323 : memref<16384xi32, #tpu.memory_space<hbm>>) dst(%arg4 : memref<16384xi32, #tpu.memory_space<vmem>>)
      } else {
      }
      %add3A_285 = vector.broadcast %select_n3A_231 : i32 to vector<16xi32>
      %add3A_286 = arith.addi %broadcast_in_dim3A_30, %add3A_285 : vector<16xi32>
      %mul3A_287 = arith.constant 128 : i32
      %mul3A_288 = arith.muli %mul3A_273, %mul3A_287 : i32
      %eq3A_289 = arith.constant 0 : i32
      %eq3A_290 = arith.cmpi eq, %select_n3A_255, %eq3A_289 : i32
      %convert_element_type3A_291 = arith.extui %eq3A_290 : i1 to i32
      %cond3A_292 = arith.constant 0 : i32
      %cond3A_293 = arith.cmpi ne, %convert_element_type3A_291, %cond3A_292 : i32
      scf.if %cond3A_293 {
        %parallel_loop3A = arith.constant 0 : i32
        %parallel_loop3A_322 = arith.constant 16 : i32
        %parallel_loop3A_323 = arith.constant 1 : i32
        scf.for %parallel_loop3A_324 = %parallel_loop3A to %parallel_loop3A_322 step %parallel_loop3A_323  : i32 {
          %parallel_loop3A_325 = arith.constant 128 : i32
          %parallel_loop3A_326 = arith.muli %parallel_loop3A_324, %parallel_loop3A_325 : i32
          %parallel_loop3A_327 = arith.addi %mul3A_275, %parallel_loop3A_326 : i32
          %parallel_loop3A_328 = arith.constant 0 : i32
          %parallel_loop3A_329 = arith.addi %parallel_loop3A_327, %parallel_loop3A_328 : i32
          %parallel_loop3A_330 = arith.index_cast %parallel_loop3A_329 : i32 to index
          %parallel_loop3A_331 = tpu.vector_load %arg5[%parallel_loop3A_330] {strides = array<i32>} : memref<30720xi32, #tpu.memory_space<vmem>>, vector<16xi32>,
          tpu.vector_store %arg5[%parallel_loop3A_330], %broadcast_in_dim3A_30 {strides = array<i32>} : memref<30720xi32, #tpu.memory_space<vmem>>, vector<16xi32>,
          %parallel_loop3A_332 = arith.constant 128 : i32
          %parallel_loop3A_333 = arith.muli %parallel_loop3A_324, %parallel_loop3A_332 : i32
          %parallel_loop3A_334 = arith.addi %mul3A_275, %parallel_loop3A_333 : i32
          %parallel_loop3A_335 = arith.constant 16 : i32
          %parallel_loop3A_336 = arith.addi %parallel_loop3A_334, %parallel_loop3A_335 : i32
          %parallel_loop3A_337 = arith.index_cast %parallel_loop3A_336 : i32 to index
          %parallel_loop3A_338 = tpu.vector_load %arg5[%parallel_loop3A_337] {strides = array<i32>} : memref<30720xi32, #tpu.memory_space<vmem>>, vector<16xi32>,
          tpu.vector_store %arg5[%parallel_loop3A_337], %broadcast_in_dim3A_30 {strides = array<i32>} : memref<30720xi32, #tpu.memory_space<vmem>>, vector<16xi32>,
          %parallel_loop3A_339 = arith.constant 128 : i32
          %parallel_loop3A_340 = arith.muli %parallel_loop3A_324, %parallel_loop3A_339 : i32
          %parallel_loop3A_341 = arith.addi %mul3A_275, %parallel_loop3A_340 : i32
          %parallel_loop3A_342 = arith.constant 32 : i32
          %parallel_loop3A_343 = arith.addi %parallel_loop3A_341, %parallel_loop3A_342 : i32
          %parallel_loop3A_344 = arith.index_cast %parallel_loop3A_343 : i32 to index
          %parallel_loop3A_345 = tpu.vector_load %arg5[%parallel_loop3A_344] {strides = array<i32>} : memref<30720xi32, #tpu.memory_space<vmem>>, vector<16xi32>,
          tpu.vector_store %arg5[%parallel_loop3A_344], %broadcast_in_dim3A_30 {strides = array<i32>} : memref<30720xi32, #tpu.memory_space<vmem>>, vector<16xi32>,
          %parallel_loop3A_346 = arith.constant 128 : i32
          %parallel_loop3A_347 = arith.muli %parallel_loop3A_324, %parallel_loop3A_346 : i32
          %parallel_loop3A_348 = arith.addi %mul3A_275, %parallel_loop3A_347 : i32
          %parallel_loop3A_349 = arith.constant 48 : i32
          %parallel_loop3A_350 = arith.addi %parallel_loop3A_348, %parallel_loop3A_349 : i32
          %parallel_loop3A_351 = arith.index_cast %parallel_loop3A_350 : i32 to index
          %parallel_loop3A_352 = tpu.vector_load %arg5[%parallel_loop3A_351] {strides = array<i32>} : memref<30720xi32, #tpu.memory_space<vmem>>, vector<16xi32>,
          tpu.vector_store %arg5[%parallel_loop3A_351], %broadcast_in_dim3A_30 {strides = array<i32>} : memref<30720xi32, #tpu.memory_space<vmem>>, vector<16xi32>,
          %parallel_loop3A_353 = arith.constant 128 : i32
          %parallel_loop3A_354 = arith.muli %parallel_loop3A_324, %parallel_loop3A_353 : i32
          %parallel_loop3A_355 = arith.addi %mul3A_275, %parallel_loop3A_354 : i32
          %parallel_loop3A_356 = arith.constant 64 : i32
          %parallel_loop3A_357 = arith.addi %parallel_loop3A_355, %parallel_loop3A_356 : i32
          %parallel_loop3A_358 = arith.index_cast %parallel_loop3A_357 : i32 to index
          %parallel_loop3A_359 = tpu.vector_load %arg5[%parallel_loop3A_358] {strides = array<i32>} : memref<30720xi32, #tpu.memory_space<vmem>>, vector<16xi32>,
          tpu.vector_store %arg5[%parallel_loop3A_358], %broadcast_in_dim3A_30 {strides = array<i32>} : memref<30720xi32, #tpu.memory_space<vmem>>, vector<16xi32>,
          %parallel_loop3A_360 = arith.constant 128 : i32
          %parallel_loop3A_361 = arith.muli %parallel_loop3A_324, %parallel_loop3A_360 : i32
          %parallel_loop3A_362 = arith.addi %mul3A_275, %parallel_loop3A_361 : i32
          %parallel_loop3A_363 = arith.constant 80 : i32
          %parallel_loop3A_364 = arith.addi %parallel_loop3A_362, %parallel_loop3A_363 : i32
          %parallel_loop3A_365 = arith.index_cast %parallel_loop3A_364 : i32 to index
          %parallel_loop3A_366 = tpu.vector_load %arg5[%parallel_loop3A_365] {strides = array<i32>} : memref<30720xi32, #tpu.memory_space<vmem>>, vector<16xi32>,
          tpu.vector_store %arg5[%parallel_loop3A_365], %broadcast_in_dim3A_30 {strides = array<i32>} : memref<30720xi32, #tpu.memory_space<vmem>>, vector<16xi32>,
          %parallel_loop3A_367 = arith.constant 128 : i32
          %parallel_loop3A_368 = arith.muli %parallel_loop3A_324, %parallel_loop3A_367 : i32
          %parallel_loop3A_369 = arith.addi %mul3A_275, %parallel_loop3A_368 : i32
          %parallel_loop3A_370 = arith.constant 96 : i32
          %parallel_loop3A_371 = arith.addi %parallel_loop3A_369, %parallel_loop3A_370 : i32
          %parallel_loop3A_372 = arith.index_cast %parallel_loop3A_371 : i32 to index
          %parallel_loop3A_373 = tpu.vector_load %arg5[%parallel_loop3A_372] {strides = array<i32>} : memref<30720xi32, #tpu.memory_space<vmem>>, vector<16xi32>,
          tpu.vector_store %arg5[%parallel_loop3A_372], %broadcast_in_dim3A_30 {strides = array<i32>} : memref<30720xi32, #tpu.memory_space<vmem>>, vector<16xi32>,
          %parallel_loop3A_374 = arith.constant 128 : i32
          %parallel_loop3A_375 = arith.muli %parallel_loop3A_324, %parallel_loop3A_374 : i32
          %parallel_loop3A_376 = arith.addi %mul3A_275, %parallel_loop3A_375 : i32
          %parallel_loop3A_377 = arith.constant 112 : i32
          %parallel_loop3A_378 = arith.addi %parallel_loop3A_376, %parallel_loop3A_377 : i32
          %parallel_loop3A_379 = arith.index_cast %parallel_loop3A_378 : i32 to index
          %parallel_loop3A_380 = tpu.vector_load %arg5[%parallel_loop3A_379] {strides = array<i32>} : memref<30720xi32, #tpu.memory_space<vmem>>, vector<16xi32>,
          tpu.vector_store %arg5[%parallel_loop3A_379], %broadcast_in_dim3A_30 {strides = array<i32>} : memref<30720xi32, #tpu.memory_space<vmem>>, vector<16xi32>,
        } {sc.loop_unroll_factor = 2 : i64, sc.parallel_access}
      } else {
      }
      %eq3A_294 = arith.constant 1 : i32
      %eq3A_295 = arith.cmpi eq, %select_n3A_255, %eq3A_294 : i32
      %convert_element_type3A_296 = arith.extui %eq3A_295 : i1 to i32
      %cond3A_297 = arith.constant 0 : i32
      %cond3A_298 = arith.cmpi ne, %convert_element_type3A_296, %cond3A_297 : i32
      scf.if %cond3A_298 {
        %parallel_loop3A = arith.constant 0 : i32
        %parallel_loop3A_322 = arith.constant 16 : i32
        %parallel_loop3A_323 = arith.constant 1 : i32
        scf.for %parallel_loop3A_324 = %parallel_loop3A to %parallel_loop3A_322 step %parallel_loop3A_323  : i32 {
          %parallel_loop3A_325 = arith.constant 128 : i32
          %parallel_loop3A_326 = arith.muli %parallel_loop3A_324, %parallel_loop3A_325 : i32
          %parallel_loop3A_327 = arith.addi %mul3A_275, %parallel_loop3A_326 : i32
          %parallel_loop3A_328 = arith.constant 0 : i32
          %parallel_loop3A_329 = arith.addi %parallel_loop3A_327, %parallel_loop3A_328 : i32
          %parallel_loop3A_330 = arith.index_cast %parallel_loop3A_329 : i32 to index
          %parallel_loop3A_331 = tpu.vector_load %arg5[%parallel_loop3A_330] {strides = array<i32>} : memref<30720xi32, #tpu.memory_space<vmem>>, vector<16xi32>,
          tpu.vector_store %arg5[%parallel_loop3A_330], %add3A_286 {strides = array<i32>} : memref<30720xi32, #tpu.memory_space<vmem>>, vector<16xi32>,
          %parallel_loop3A_332 = arith.constant 128 : i32
          %parallel_loop3A_333 = arith.muli %parallel_loop3A_324, %parallel_loop3A_332 : i32
          %parallel_loop3A_334 = arith.addi %mul3A_275, %parallel_loop3A_333 : i32
          %parallel_loop3A_335 = arith.constant 16 : i32
          %parallel_loop3A_336 = arith.addi %parallel_loop3A_334, %parallel_loop3A_335 : i32
          %parallel_loop3A_337 = arith.index_cast %parallel_loop3A_336 : i32 to index
          %parallel_loop3A_338 = tpu.vector_load %arg5[%parallel_loop3A_337] {strides = array<i32>} : memref<30720xi32, #tpu.memory_space<vmem>>, vector<16xi32>,
          tpu.vector_store %arg5[%parallel_loop3A_337], %add3A_286 {strides = array<i32>} : memref<30720xi32, #tpu.memory_space<vmem>>, vector<16xi32>,
          %parallel_loop3A_339 = arith.constant 128 : i32
          %parallel_loop3A_340 = arith.muli %parallel_loop3A_324, %parallel_loop3A_339 : i32
          %parallel_loop3A_341 = arith.addi %mul3A_275, %parallel_loop3A_340 : i32
          %parallel_loop3A_342 = arith.constant 32 : i32
          %parallel_loop3A_343 = arith.addi %parallel_loop3A_341, %parallel_loop3A_342 : i32
          %parallel_loop3A_344 = arith.index_cast %parallel_loop3A_343 : i32 to index
          %parallel_loop3A_345 = tpu.vector_load %arg5[%parallel_loop3A_344] {strides = array<i32>} : memref<30720xi32, #tpu.memory_space<vmem>>, vector<16xi32>,
          tpu.vector_store %arg5[%parallel_loop3A_344], %add3A_286 {strides = array<i32>} : memref<30720xi32, #tpu.memory_space<vmem>>, vector<16xi32>,
          %parallel_loop3A_346 = arith.constant 128 : i32
          %parallel_loop3A_347 = arith.muli %parallel_loop3A_324, %parallel_loop3A_346 : i32
          %parallel_loop3A_348 = arith.addi %mul3A_275, %parallel_loop3A_347 : i32
          %parallel_loop3A_349 = arith.constant 48 : i32
          %parallel_loop3A_350 = arith.addi %parallel_loop3A_348, %parallel_loop3A_349 : i32
          %parallel_loop3A_351 = arith.index_cast %parallel_loop3A_350 : i32 to index
          %parallel_loop3A_352 = tpu.vector_load %arg5[%parallel_loop3A_351] {strides = array<i32>} : memref<30720xi32, #tpu.memory_space<vmem>>, vector<16xi32>,
          tpu.vector_store %arg5[%parallel_loop3A_351], %add3A_286 {strides = array<i32>} : memref<30720xi32, #tpu.memory_space<vmem>>, vector<16xi32>,
          %parallel_loop3A_353 = arith.constant 128 : i32
          %parallel_loop3A_354 = arith.muli %parallel_loop3A_324, %parallel_loop3A_353 : i32
          %parallel_loop3A_355 = arith.addi %mul3A_275, %parallel_loop3A_354 : i32
          %parallel_loop3A_356 = arith.constant 64 : i32
          %parallel_loop3A_357 = arith.addi %parallel_loop3A_355, %parallel_loop3A_356 : i32
          %parallel_loop3A_358 = arith.index_cast %parallel_loop3A_357 : i32 to index
          %parallel_loop3A_359 = tpu.vector_load %arg5[%parallel_loop3A_358] {strides = array<i32>} : memref<30720xi32, #tpu.memory_space<vmem>>, vector<16xi32>,
          tpu.vector_store %arg5[%parallel_loop3A_358], %add3A_286 {strides = array<i32>} : memref<30720xi32, #tpu.memory_space<vmem>>, vector<16xi32>,
          %parallel_loop3A_360 = arith.constant 128 : i32
          %parallel_loop3A_361 = arith.muli %parallel_loop3A_324, %parallel_loop3A_360 : i32
          %parallel_loop3A_362 = arith.addi %mul3A_275, %parallel_loop3A_361 : i32
          %parallel_loop3A_363 = arith.constant 80 : i32
          %parallel_loop3A_364 = arith.addi %parallel_loop3A_362, %parallel_loop3A_363 : i32
          %parallel_loop3A_365 = arith.index_cast %parallel_loop3A_364 : i32 to index
          %parallel_loop3A_366 = tpu.vector_load %arg5[%parallel_loop3A_365] {strides = array<i32>} : memref<30720xi32, #tpu.memory_space<vmem>>, vector<16xi32>,
          tpu.vector_store %arg5[%parallel_loop3A_365], %add3A_286 {strides = array<i32>} : memref<30720xi32, #tpu.memory_space<vmem>>, vector<16xi32>,
          %parallel_loop3A_367 = arith.constant 128 : i32
          %parallel_loop3A_368 = arith.muli %parallel_loop3A_324, %parallel_loop3A_367 : i32
          %parallel_loop3A_369 = arith.addi %mul3A_275, %parallel_loop3A_368 : i32
          %parallel_loop3A_370 = arith.constant 96 : i32
          %parallel_loop3A_371 = arith.addi %parallel_loop3A_369, %parallel_loop3A_370 : i32
          %parallel_loop3A_372 = arith.index_cast %parallel_loop3A_371 : i32 to index
          %parallel_loop3A_373 = tpu.vector_load %arg5[%parallel_loop3A_372] {strides = array<i32>} : memref<30720xi32, #tpu.memory_space<vmem>>, vector<16xi32>,
          tpu.vector_store %arg5[%parallel_loop3A_372], %add3A_286 {strides = array<i32>} : memref<30720xi32, #tpu.memory_space<vmem>>, vector<16xi32>,
          %parallel_loop3A_374 = arith.constant 128 : i32
          %parallel_loop3A_375 = arith.muli %parallel_loop3A_324, %parallel_loop3A_374 : i32
          %parallel_loop3A_376 = arith.addi %mul3A_275, %parallel_loop3A_375 : i32
          %parallel_loop3A_377 = arith.constant 112 : i32
          %parallel_loop3A_378 = arith.addi %parallel_loop3A_376, %parallel_loop3A_377 : i32
          %parallel_loop3A_379 = arith.index_cast %parallel_loop3A_378 : i32 to index
          %parallel_loop3A_380 = tpu.vector_load %arg5[%parallel_loop3A_379] {strides = array<i32>} : memref<30720xi32, #tpu.memory_space<vmem>>, vector<16xi32>,
          tpu.vector_store %arg5[%parallel_loop3A_379], %add3A_286 {strides = array<i32>} : memref<30720xi32, #tpu.memory_space<vmem>>, vector<16xi32>,
        } {sc.loop_unroll_factor = 2 : i64, sc.parallel_access}
      } else {
      }
      %eq3A_299 = arith.constant 2 : i32
      %eq3A_300 = arith.cmpi eq, %select_n3A_255, %eq3A_299 : i32
      %convert_element_type3A_301 = arith.extui %eq3A_300 : i1 to i32
      %cond3A_302 = arith.constant 0 : i32
      %cond3A_303 = arith.cmpi ne, %convert_element_type3A_301, %cond3A_302 : i32
      scf.if %cond3A_303 {
        %parallel_loop3A = arith.constant 0 : i32
        %parallel_loop3A_322 = arith.constant 16 : i32
        %parallel_loop3A_323 = arith.constant 1 : i32
        scf.for %parallel_loop3A_324 = %parallel_loop3A to %parallel_loop3A_322 step %parallel_loop3A_323  : i32 {
          %parallel_loop3A_325 = arith.constant 3 : i32
          %parallel_loop3A_326 = arith.shrsi %parallel_loop3A_324, %parallel_loop3A_325 : i32
          %parallel_loop3A_327 = arith.constant 128 : i32
          %parallel_loop3A_328 = arith.muli %parallel_loop3A_326, %parallel_loop3A_327 : i32
          %parallel_loop3A_329 = arith.addi %mul3A_288, %parallel_loop3A_328 : i32
          %parallel_loop3A_330 = arith.constant 0 : i32
          %parallel_loop3A_331 = vector.broadcast %parallel_loop3A_330 : i32 to vector<16xi32>
          %parallel_loop3A_332 = arith.addi %parallel_loop3A_331, %iota3A : vector<16xi32>
          %parallel_loop3A_333 = vector.broadcast %parallel_loop3A_329 : i32 to vector<16xi32>
          %parallel_loop3A_334 = arith.addi %parallel_loop3A_333, %parallel_loop3A_332 : vector<16xi32>
          %parallel_loop3A_335 = arith.constant 128 : i32
          %parallel_loop3A_336 = arith.muli %parallel_loop3A_324, %parallel_loop3A_335 : i32
          %parallel_loop3A_337 = arith.addi %mul3A_275, %parallel_loop3A_336 : i32
          %parallel_loop3A_338 = arith.constant 0 : i32
          %parallel_loop3A_339 = arith.addi %parallel_loop3A_337, %parallel_loop3A_338 : i32
          %parallel_loop3A_340 = arith.index_cast %parallel_loop3A_339 : i32 to index
          %parallel_loop3A_341 = tpu.vector_load %arg5[%parallel_loop3A_340] {strides = array<i32>} : memref<30720xi32, #tpu.memory_space<vmem>>, vector<16xi32>,
          tpu.vector_store %arg5[%parallel_loop3A_340], %parallel_loop3A_334 {strides = array<i32>} : memref<30720xi32, #tpu.memory_space<vmem>>, vector<16xi32>,
          %parallel_loop3A_342 = arith.constant 3 : i32
          %parallel_loop3A_343 = arith.shrsi %parallel_loop3A_324, %parallel_loop3A_342 : i32
          %parallel_loop3A_344 = arith.constant 128 : i32
          %parallel_loop3A_345 = arith.muli %parallel_loop3A_343, %parallel_loop3A_344 : i32
          %parallel_loop3A_346 = arith.addi %mul3A_288, %parallel_loop3A_345 : i32
          %parallel_loop3A_347 = arith.constant 16 : i32
          %parallel_loop3A_348 = vector.broadcast %parallel_loop3A_347 : i32 to vector<16xi32>
          %parallel_loop3A_349 = arith.addi %parallel_loop3A_348, %iota3A : vector<16xi32>
          %parallel_loop3A_350 = vector.broadcast %parallel_loop3A_346 : i32 to vector<16xi32>
          %parallel_loop3A_351 = arith.addi %parallel_loop3A_350, %parallel_loop3A_349 : vector<16xi32>
          %parallel_loop3A_352 = arith.constant 128 : i32
          %parallel_loop3A_353 = arith.muli %parallel_loop3A_324, %parallel_loop3A_352 : i32
          %parallel_loop3A_354 = arith.addi %mul3A_275, %parallel_loop3A_353 : i32
          %parallel_loop3A_355 = arith.constant 16 : i32
          %parallel_loop3A_356 = arith.addi %parallel_loop3A_354, %parallel_loop3A_355 : i32
          %parallel_loop3A_357 = arith.index_cast %parallel_loop3A_356 : i32 to index
          %parallel_loop3A_358 = tpu.vector_load %arg5[%parallel_loop3A_357] {strides = array<i32>} : memref<30720xi32, #tpu.memory_space<vmem>>, vector<16xi32>,
          tpu.vector_store %arg5[%parallel_loop3A_357], %parallel_loop3A_351 {strides = array<i32>} : memref<30720xi32, #tpu.memory_space<vmem>>, vector<16xi32>,
          %parallel_loop3A_359 = arith.constant 3 : i32
          %parallel_loop3A_360 = arith.shrsi %parallel_loop3A_324, %parallel_loop3A_359 : i32
          %parallel_loop3A_361 = arith.constant 128 : i32
          %parallel_loop3A_362 = arith.muli %parallel_loop3A_360, %parallel_loop3A_361 : i32
          %parallel_loop3A_363 = arith.addi %mul3A_288, %parallel_loop3A_362 : i32
          %parallel_loop3A_364 = arith.constant 32 : i32
          %parallel_loop3A_365 = vector.broadcast %parallel_loop3A_364 : i32 to vector<16xi32>
          %parallel_loop3A_366 = arith.addi %parallel_loop3A_365, %iota3A : vector<16xi32>
          %parallel_loop3A_367 = vector.broadcast %parallel_loop3A_363 : i32 to vector<16xi32>
          %parallel_loop3A_368 = arith.addi %parallel_loop3A_367, %parallel_loop3A_366 : vector<16xi32>
          %parallel_loop3A_369 = arith.constant 128 : i32
          %parallel_loop3A_370 = arith.muli %parallel_loop3A_324, %parallel_loop3A_369 : i32
          %parallel_loop3A_371 = arith.addi %mul3A_275, %parallel_loop3A_370 : i32
          %parallel_loop3A_372 = arith.constant 32 : i32
          %parallel_loop3A_373 = arith.addi %parallel_loop3A_371, %parallel_loop3A_372 : i32
          %parallel_loop3A_374 = arith.index_cast %parallel_loop3A_373 : i32 to index
          %parallel_loop3A_375 = tpu.vector_load %arg5[%parallel_loop3A_374] {strides = array<i32>} : memref<30720xi32, #tpu.memory_space<vmem>>, vector<16xi32>,
          tpu.vector_store %arg5[%parallel_loop3A_374], %parallel_loop3A_368 {strides = array<i32>} : memref<30720xi32, #tpu.memory_space<vmem>>, vector<16xi32>,
          %parallel_loop3A_376 = arith.constant 3 : i32
          %parallel_loop3A_377 = arith.shrsi %parallel_loop3A_324, %parallel_loop3A_376 : i32
          %parallel_loop3A_378 = arith.constant 128 : i32
          %parallel_loop3A_379 = arith.muli %parallel_loop3A_377, %parallel_loop3A_378 : i32
          %parallel_loop3A_380 = arith.addi %mul3A_288, %parallel_loop3A_379 : i32
          %parallel_loop3A_381 = arith.constant 48 : i32
          %parallel_loop3A_382 = vector.broadcast %parallel_loop3A_381 : i32 to vector<16xi32>
          %parallel_loop3A_383 = arith.addi %parallel_loop3A_382, %iota3A : vector<16xi32>
          %parallel_loop3A_384 = vector.broadcast %parallel_loop3A_380 : i32 to vector<16xi32>
          %parallel_loop3A_385 = arith.addi %parallel_loop3A_384, %parallel_loop3A_383 : vector<16xi32>
          %parallel_loop3A_386 = arith.constant 128 : i32
          %parallel_loop3A_387 = arith.muli %parallel_loop3A_324, %parallel_loop3A_386 : i32
          %parallel_loop3A_388 = arith.addi %mul3A_275, %parallel_loop3A_387 : i32
          %parallel_loop3A_389 = arith.constant 48 : i32
          %parallel_loop3A_390 = arith.addi %parallel_loop3A_388, %parallel_loop3A_389 : i32
          %parallel_loop3A_391 = arith.index_cast %parallel_loop3A_390 : i32 to index
          %parallel_loop3A_392 = tpu.vector_load %arg5[%parallel_loop3A_391] {strides = array<i32>} : memref<30720xi32, #tpu.memory_space<vmem>>, vector<16xi32>,
          tpu.vector_store %arg5[%parallel_loop3A_391], %parallel_loop3A_385 {strides = array<i32>} : memref<30720xi32, #tpu.memory_space<vmem>>, vector<16xi32>,
          %parallel_loop3A_393 = arith.constant 3 : i32
          %parallel_loop3A_394 = arith.shrsi %parallel_loop3A_324, %parallel_loop3A_393 : i32
          %parallel_loop3A_395 = arith.constant 128 : i32
          %parallel_loop3A_396 = arith.muli %parallel_loop3A_394, %parallel_loop3A_395 : i32
          %parallel_loop3A_397 = arith.addi %mul3A_288, %parallel_loop3A_396 : i32
          %parallel_loop3A_398 = arith.constant 64 : i32
          %parallel_loop3A_399 = vector.broadcast %parallel_loop3A_398 : i32 to vector<16xi32>
          %parallel_loop3A_400 = arith.addi %parallel_loop3A_399, %iota3A : vector<16xi32>
          %parallel_loop3A_401 = vector.broadcast %parallel_loop3A_397 : i32 to vector<16xi32>
          %parallel_loop3A_402 = arith.addi %parallel_loop3A_401, %parallel_loop3A_400 : vector<16xi32>
          %parallel_loop3A_403 = arith.constant 128 : i32
          %parallel_loop3A_404 = arith.muli %parallel_loop3A_324, %parallel_loop3A_403 : i32
          %parallel_loop3A_405 = arith.addi %mul3A_275, %parallel_loop3A_404 : i32
          %parallel_loop3A_406 = arith.constant 64 : i32
          %parallel_loop3A_407 = arith.addi %parallel_loop3A_405, %parallel_loop3A_406 : i32
          %parallel_loop3A_408 = arith.index_cast %parallel_loop3A_407 : i32 to index
          %parallel_loop3A_409 = tpu.vector_load %arg5[%parallel_loop3A_408] {strides = array<i32>} : memref<30720xi32, #tpu.memory_space<vmem>>, vector<16xi32>,
          tpu.vector_store %arg5[%parallel_loop3A_408], %parallel_loop3A_402 {strides = array<i32>} : memref<30720xi32, #tpu.memory_space<vmem>>, vector<16xi32>,
          %parallel_loop3A_410 = arith.constant 3 : i32
          %parallel_loop3A_411 = arith.shrsi %parallel_loop3A_324, %parallel_loop3A_410 : i32
          %parallel_loop3A_412 = arith.constant 128 : i32
          %parallel_loop3A_413 = arith.muli %parallel_loop3A_411, %parallel_loop3A_412 : i32
          %parallel_loop3A_414 = arith.addi %mul3A_288, %parallel_loop3A_413 : i32
          %parallel_loop3A_415 = arith.constant 80 : i32
          %parallel_loop3A_416 = vector.broadcast %parallel_loop3A_415 : i32 to vector<16xi32>
          %parallel_loop3A_417 = arith.addi %parallel_loop3A_416, %iota3A : vector<16xi32>
          %parallel_loop3A_418 = vector.broadcast %parallel_loop3A_414 : i32 to vector<16xi32>
          %parallel_loop3A_419 = arith.addi %parallel_loop3A_418, %parallel_loop3A_417 : vector<16xi32>
          %parallel_loop3A_420 = arith.constant 128 : i32
          %parallel_loop3A_421 = arith.muli %parallel_loop3A_324, %parallel_loop3A_420 : i32
          %parallel_loop3A_422 = arith.addi %mul3A_275, %parallel_loop3A_421 : i32
          %parallel_loop3A_423 = arith.constant 80 : i32
          %parallel_loop3A_424 = arith.addi %parallel_loop3A_422, %parallel_loop3A_423 : i32
          %parallel_loop3A_425 = arith.index_cast %parallel_loop3A_424 : i32 to index
          %parallel_loop3A_426 = tpu.vector_load %arg5[%parallel_loop3A_425] {strides = array<i32>} : memref<30720xi32, #tpu.memory_space<vmem>>, vector<16xi32>,
          tpu.vector_store %arg5[%parallel_loop3A_425], %parallel_loop3A_419 {strides = array<i32>} : memref<30720xi32, #tpu.memory_space<vmem>>, vector<16xi32>,
          %parallel_loop3A_427 = arith.constant 3 : i32
          %parallel_loop3A_428 = arith.shrsi %parallel_loop3A_324, %parallel_loop3A_427 : i32
          %parallel_loop3A_429 = arith.constant 128 : i32
          %parallel_loop3A_430 = arith.muli %parallel_loop3A_428, %parallel_loop3A_429 : i32
          %parallel_loop3A_431 = arith.addi %mul3A_288, %parallel_loop3A_430 : i32
          %parallel_loop3A_432 = arith.constant 96 : i32
          %parallel_loop3A_433 = vector.broadcast %parallel_loop3A_432 : i32 to vector<16xi32>
          %parallel_loop3A_434 = arith.addi %parallel_loop3A_433, %iota3A : vector<16xi32>
          %parallel_loop3A_435 = vector.broadcast %parallel_loop3A_431 : i32 to vector<16xi32>
          %parallel_loop3A_436 = arith.addi %parallel_loop3A_435, %parallel_loop3A_434 : vector<16xi32>
          %parallel_loop3A_437 = arith.constant 128 : i32
          %parallel_loop3A_438 = arith.muli %parallel_loop3A_324, %parallel_loop3A_437 : i32
          %parallel_loop3A_439 = arith.addi %mul3A_275, %parallel_loop3A_438 : i32
          %parallel_loop3A_440 = arith.constant 96 : i32
          %parallel_loop3A_441 = arith.addi %parallel_loop3A_439, %parallel_loop3A_440 : i32
          %parallel_loop3A_442 = arith.index_cast %parallel_loop3A_441 : i32 to index
          %parallel_loop3A_443 = tpu.vector_load %arg5[%parallel_loop3A_442] {strides = array<i32>} : memref<30720xi32, #tpu.memory_space<vmem>>, vector<16xi32>,
          tpu.vector_store %arg5[%parallel_loop3A_442], %parallel_loop3A_436 {strides = array<i32>} : memref<30720xi32, #tpu.memory_space<vmem>>, vector<16xi32>,
          %parallel_loop3A_444 = arith.constant 3 : i32
          %parallel_loop3A_445 = arith.shrsi %parallel_loop3A_324, %parallel_loop3A_444 : i32
          %parallel_loop3A_446 = arith.constant 128 : i32
          %parallel_loop3A_447 = arith.muli %parallel_loop3A_445, %parallel_loop3A_446 : i32
          %parallel_loop3A_448 = arith.addi %mul3A_288, %parallel_loop3A_447 : i32
          %parallel_loop3A_449 = arith.constant 112 : i32
          %parallel_loop3A_450 = vector.broadcast %parallel_loop3A_449 : i32 to vector<16xi32>
          %parallel_loop3A_451 = arith.addi %parallel_loop3A_450, %iota3A : vector<16xi32>
          %parallel_loop3A_452 = vector.broadcast %parallel_loop3A_448 : i32 to vector<16xi32>
          %parallel_loop3A_453 = arith.addi %parallel_loop3A_452, %parallel_loop3A_451 : vector<16xi32>
          %parallel_loop3A_454 = arith.constant 128 : i32
          %parallel_loop3A_455 = arith.muli %parallel_loop3A_324, %parallel_loop3A_454 : i32
          %parallel_loop3A_456 = arith.addi %mul3A_275, %parallel_loop3A_455 : i32
          %parallel_loop3A_457 = arith.constant 112 : i32
          %parallel_loop3A_458 = arith.addi %parallel_loop3A_456, %parallel_loop3A_457 : i32
          %parallel_loop3A_459 = arith.index_cast %parallel_loop3A_458 : i32 to index
          %parallel_loop3A_460 = tpu.vector_load %arg5[%parallel_loop3A_459] {strides = array<i32>} : memref<30720xi32, #tpu.memory_space<vmem>>, vector<16xi32>,
          tpu.vector_store %arg5[%parallel_loop3A_459], %parallel_loop3A_453 {strides = array<i32>} : memref<30720xi32, #tpu.memory_space<vmem>>, vector<16xi32>,
        } {sc.loop_unroll_factor = 2 : i64, sc.parallel_access}
      } else {
      }
      %eq3A_304 = arith.constant 3 : i32
      %eq3A_305 = arith.cmpi eq, %select_n3A_255, %eq3A_304 : i32
      %convert_element_type3A_306 = arith.extui %eq3A_305 : i1 to i32
      %cond3A_307 = arith.constant 0 : i32
      %cond3A_308 = arith.cmpi ne, %convert_element_type3A_306, %cond3A_307 : i32
      scf.if %cond3A_308 {
        %parallel_loop3A = arith.constant 0 : i32
        %parallel_loop3A_322 = arith.constant 16 : i32
        %parallel_loop3A_323 = arith.constant 1 : i32
        scf.for %parallel_loop3A_324 = %parallel_loop3A to %parallel_loop3A_322 step %parallel_loop3A_323  : i32 {
          %parallel_loop3A_325 = arith.constant 128 : i32
          %parallel_loop3A_326 = arith.muli %parallel_loop3A_324, %parallel_loop3A_325 : i32
          %parallel_loop3A_327 = arith.constant 0 : i32
          %parallel_loop3A_328 = arith.addi %parallel_loop3A_326, %parallel_loop3A_327 : i32
          %parallel_loop3A_329 = arith.addi %mul3A_277, %parallel_loop3A_328 : i32
          %parallel_loop3A_330 = arith.index_cast %parallel_loop3A_329 : i32 to index
          %parallel_loop3A_331 = tpu.vector_load %arg4[%parallel_loop3A_330] {strides = array<i32>} : memref<16384xi32, #tpu.memory_space<vmem>>, vector<16xi32>,
          %parallel_loop3A_332 = arith.constant 7 : i32
          %parallel_loop3A_333 = vector.broadcast %parallel_loop3A_332 : i32 to vector<16xi32>
          %parallel_loop3A_334 = arith.shli %parallel_loop3A_331, %parallel_loop3A_333 : vector<16xi32>
          %parallel_loop3A_335 = arith.constant 0 : i32
          %parallel_loop3A_336 = vector.broadcast %parallel_loop3A_335 : i32 to vector<16xi32>
          %parallel_loop3A_337 = arith.addi %parallel_loop3A_334, %parallel_loop3A_336 : vector<16xi32>
          %parallel_loop3A_338 = arith.addi %mul3A_275, %parallel_loop3A_328 : i32
          %parallel_loop3A_339 = arith.index_cast %parallel_loop3A_338 : i32 to index
          %parallel_loop3A_340 = tpu.vector_load %arg5[%parallel_loop3A_339] {strides = array<i32>} : memref<30720xi32, #tpu.memory_space<vmem>>, vector<16xi32>,
          tpu.vector_store %arg5[%parallel_loop3A_339], %parallel_loop3A_337 {strides = array<i32>} : memref<30720xi32, #tpu.memory_space<vmem>>, vector<16xi32>,
          %parallel_loop3A_341 = arith.constant 128 : i32
          %parallel_loop3A_342 = arith.muli %parallel_loop3A_324, %parallel_loop3A_341 : i32
          %parallel_loop3A_343 = arith.constant 16 : i32
          %parallel_loop3A_344 = arith.addi %parallel_loop3A_342, %parallel_loop3A_343 : i32
          %parallel_loop3A_345 = arith.addi %mul3A_277, %parallel_loop3A_344 : i32
          %parallel_loop3A_346 = arith.index_cast %parallel_loop3A_345 : i32 to index
          %parallel_loop3A_347 = tpu.vector_load %arg4[%parallel_loop3A_346] {strides = array<i32>} : memref<16384xi32, #tpu.memory_space<vmem>>, vector<16xi32>,
          %parallel_loop3A_348 = arith.constant 7 : i32
          %parallel_loop3A_349 = vector.broadcast %parallel_loop3A_348 : i32 to vector<16xi32>
          %parallel_loop3A_350 = arith.shli %parallel_loop3A_347, %parallel_loop3A_349 : vector<16xi32>
          %parallel_loop3A_351 = arith.constant 0 : i32
          %parallel_loop3A_352 = vector.broadcast %parallel_loop3A_351 : i32 to vector<16xi32>
          %parallel_loop3A_353 = arith.addi %parallel_loop3A_350, %parallel_loop3A_352 : vector<16xi32>
          %parallel_loop3A_354 = arith.addi %mul3A_275, %parallel_loop3A_344 : i32
          %parallel_loop3A_355 = arith.index_cast %parallel_loop3A_354 : i32 to index
          %parallel_loop3A_356 = tpu.vector_load %arg5[%parallel_loop3A_355] {strides = array<i32>} : memref<30720xi32, #tpu.memory_space<vmem>>, vector<16xi32>,
          tpu.vector_store %arg5[%parallel_loop3A_355], %parallel_loop3A_353 {strides = array<i32>} : memref<30720xi32, #tpu.memory_space<vmem>>, vector<16xi32>,
          %parallel_loop3A_357 = arith.constant 128 : i32
          %parallel_loop3A_358 = arith.muli %parallel_loop3A_324, %parallel_loop3A_357 : i32
          %parallel_loop3A_359 = arith.constant 32 : i32
          %parallel_loop3A_360 = arith.addi %parallel_loop3A_358, %parallel_loop3A_359 : i32
          %parallel_loop3A_361 = arith.addi %mul3A_277, %parallel_loop3A_360 : i32
          %parallel_loop3A_362 = arith.index_cast %parallel_loop3A_361 : i32 to index
          %parallel_loop3A_363 = tpu.vector_load %arg4[%parallel_loop3A_362] {strides = array<i32>} : memref<16384xi32, #tpu.memory_space<vmem>>, vector<16xi32>,
          %parallel_loop3A_364 = arith.constant 7 : i32
          %parallel_loop3A_365 = vector.broadcast %parallel_loop3A_364 : i32 to vector<16xi32>
          %parallel_loop3A_366 = arith.shli %parallel_loop3A_363, %parallel_loop3A_365 : vector<16xi32>
          %parallel_loop3A_367 = arith.constant 0 : i32
          %parallel_loop3A_368 = vector.broadcast %parallel_loop3A_367 : i32 to vector<16xi32>
          %parallel_loop3A_369 = arith.addi %parallel_loop3A_366, %parallel_loop3A_368 : vector<16xi32>
          %parallel_loop3A_370 = arith.addi %mul3A_275, %parallel_loop3A_360 : i32
          %parallel_loop3A_371 = arith.index_cast %parallel_loop3A_370 : i32 to index
          %parallel_loop3A_372 = tpu.vector_load %arg5[%parallel_loop3A_371] {strides = array<i32>} : memref<30720xi32, #tpu.memory_space<vmem>>, vector<16xi32>,
          tpu.vector_store %arg5[%parallel_loop3A_371], %parallel_loop3A_369 {strides = array<i32>} : memref<30720xi32, #tpu.memory_space<vmem>>, vector<16xi32>,
          %parallel_loop3A_373 = arith.constant 128 : i32
          %parallel_loop3A_374 = arith.muli %parallel_loop3A_324, %parallel_loop3A_373 : i32
          %parallel_loop3A_375 = arith.constant 48 : i32
          %parallel_loop3A_376 = arith.addi %parallel_loop3A_374, %parallel_loop3A_375 : i32
          %parallel_loop3A_377 = arith.addi %mul3A_277, %parallel_loop3A_376 : i32
          %parallel_loop3A_378 = arith.index_cast %parallel_loop3A_377 : i32 to index
          %parallel_loop3A_379 = tpu.vector_load %arg4[%parallel_loop3A_378] {strides = array<i32>} : memref<16384xi32, #tpu.memory_space<vmem>>, vector<16xi32>,
          %parallel_loop3A_380 = arith.constant 7 : i32
          %parallel_loop3A_381 = vector.broadcast %parallel_loop3A_380 : i32 to vector<16xi32>
          %parallel_loop3A_382 = arith.shli %parallel_loop3A_379, %parallel_loop3A_381 : vector<16xi32>
          %parallel_loop3A_383 = arith.constant 0 : i32
          %parallel_loop3A_384 = vector.broadcast %parallel_loop3A_383 : i32 to vector<16xi32>
          %parallel_loop3A_385 = arith.addi %parallel_loop3A_382, %parallel_loop3A_384 : vector<16xi32>
          %parallel_loop3A_386 = arith.addi %mul3A_275, %parallel_loop3A_376 : i32
          %parallel_loop3A_387 = arith.index_cast %parallel_loop3A_386 : i32 to index
          %parallel_loop3A_388 = tpu.vector_load %arg5[%parallel_loop3A_387] {strides = array<i32>} : memref<30720xi32, #tpu.memory_space<vmem>>, vector<16xi32>,
          tpu.vector_store %arg5[%parallel_loop3A_387], %parallel_loop3A_385 {strides = array<i32>} : memref<30720xi32, #tpu.memory_space<vmem>>, vector<16xi32>,
          %parallel_loop3A_389 = arith.constant 128 : i32
          %parallel_loop3A_390 = arith.muli %parallel_loop3A_324, %parallel_loop3A_389 : i32
          %parallel_loop3A_391 = arith.constant 64 : i32
          %parallel_loop3A_392 = arith.addi %parallel_loop3A_390, %parallel_loop3A_391 : i32
          %parallel_loop3A_393 = arith.addi %mul3A_277, %parallel_loop3A_392 : i32
          %parallel_loop3A_394 = arith.index_cast %parallel_loop3A_393 : i32 to index
          %parallel_loop3A_395 = tpu.vector_load %arg4[%parallel_loop3A_394] {strides = array<i32>} : memref<16384xi32, #tpu.memory_space<vmem>>, vector<16xi32>,
          %parallel_loop3A_396 = arith.constant 7 : i32
          %parallel_loop3A_397 = vector.broadcast %parallel_loop3A_396 : i32 to vector<16xi32>
          %parallel_loop3A_398 = arith.shli %parallel_loop3A_395, %parallel_loop3A_397 : vector<16xi32>
          %parallel_loop3A_399 = arith.constant 0 : i32
          %parallel_loop3A_400 = vector.broadcast %parallel_loop3A_399 : i32 to vector<16xi32>
          %parallel_loop3A_401 = arith.addi %parallel_loop3A_398, %parallel_loop3A_400 : vector<16xi32>
          %parallel_loop3A_402 = arith.addi %mul3A_275, %parallel_loop3A_392 : i32
          %parallel_loop3A_403 = arith.index_cast %parallel_loop3A_402 : i32 to index
          %parallel_loop3A_404 = tpu.vector_load %arg5[%parallel_loop3A_403] {strides = array<i32>} : memref<30720xi32, #tpu.memory_space<vmem>>, vector<16xi32>,
          tpu.vector_store %arg5[%parallel_loop3A_403], %parallel_loop3A_401 {strides = array<i32>} : memref<30720xi32, #tpu.memory_space<vmem>>, vector<16xi32>,
          %parallel_loop3A_405 = arith.constant 128 : i32
          %parallel_loop3A_406 = arith.muli %parallel_loop3A_324, %parallel_loop3A_405 : i32
          %parallel_loop3A_407 = arith.constant 80 : i32
          %parallel_loop3A_408 = arith.addi %parallel_loop3A_406, %parallel_loop3A_407 : i32
          %parallel_loop3A_409 = arith.addi %mul3A_277, %parallel_loop3A_408 : i32
          %parallel_loop3A_410 = arith.index_cast %parallel_loop3A_409 : i32 to index
          %parallel_loop3A_411 = tpu.vector_load %arg4[%parallel_loop3A_410] {strides = array<i32>} : memref<16384xi32, #tpu.memory_space<vmem>>, vector<16xi32>,
          %parallel_loop3A_412 = arith.constant 7 : i32
          %parallel_loop3A_413 = vector.broadcast %parallel_loop3A_412 : i32 to vector<16xi32>
          %parallel_loop3A_414 = arith.shli %parallel_loop3A_411, %parallel_loop3A_413 : vector<16xi32>
          %parallel_loop3A_415 = arith.constant 0 : i32
          %parallel_loop3A_416 = vector.broadcast %parallel_loop3A_415 : i32 to vector<16xi32>
          %parallel_loop3A_417 = arith.addi %parallel_loop3A_414, %parallel_loop3A_416 : vector<16xi32>
          %parallel_loop3A_418 = arith.addi %mul3A_275, %parallel_loop3A_408 : i32
          %parallel_loop3A_419 = arith.index_cast %parallel_loop3A_418 : i32 to index
          %parallel_loop3A_420 = tpu.vector_load %arg5[%parallel_loop3A_419] {strides = array<i32>} : memref<30720xi32, #tpu.memory_space<vmem>>, vector<16xi32>,
          tpu.vector_store %arg5[%parallel_loop3A_419], %parallel_loop3A_417 {strides = array<i32>} : memref<30720xi32, #tpu.memory_space<vmem>>, vector<16xi32>,
          %parallel_loop3A_421 = arith.constant 128 : i32
          %parallel_loop3A_422 = arith.muli %parallel_loop3A_324, %parallel_loop3A_421 : i32
          %parallel_loop3A_423 = arith.constant 96 : i32
          %parallel_loop3A_424 = arith.addi %parallel_loop3A_422, %parallel_loop3A_423 : i32
          %parallel_loop3A_425 = arith.addi %mul3A_277, %parallel_loop3A_424 : i32
          %parallel_loop3A_426 = arith.index_cast %parallel_loop3A_425 : i32 to index
          %parallel_loop3A_427 = tpu.vector_load %arg4[%parallel_loop3A_426] {strides = array<i32>} : memref<16384xi32, #tpu.memory_space<vmem>>, vector<16xi32>,
          %parallel_loop3A_428 = arith.constant 7 : i32
          %parallel_loop3A_429 = vector.broadcast %parallel_loop3A_428 : i32 to vector<16xi32>
          %parallel_loop3A_430 = arith.shli %parallel_loop3A_427, %parallel_loop3A_429 : vector<16xi32>
          %parallel_loop3A_431 = arith.constant 0 : i32
          %parallel_loop3A_432 = vector.broadcast %parallel_loop3A_431 : i32 to vector<16xi32>
          %parallel_loop3A_433 = arith.addi %parallel_loop3A_430, %parallel_loop3A_432 : vector<16xi32>
          %parallel_loop3A_434 = arith.addi %mul3A_275, %parallel_loop3A_424 : i32
          %parallel_loop3A_435 = arith.index_cast %parallel_loop3A_434 : i32 to index
          %parallel_loop3A_436 = tpu.vector_load %arg5[%parallel_loop3A_435] {strides = array<i32>} : memref<30720xi32, #tpu.memory_space<vmem>>, vector<16xi32>,
          tpu.vector_store %arg5[%parallel_loop3A_435], %parallel_loop3A_433 {strides = array<i32>} : memref<30720xi32, #tpu.memory_space<vmem>>, vector<16xi32>,
          %parallel_loop3A_437 = arith.constant 128 : i32
          %parallel_loop3A_438 = arith.muli %parallel_loop3A_324, %parallel_loop3A_437 : i32
          %parallel_loop3A_439 = arith.constant 112 : i32
          %parallel_loop3A_440 = arith.addi %parallel_loop3A_438, %parallel_loop3A_439 : i32
          %parallel_loop3A_441 = arith.addi %mul3A_277, %parallel_loop3A_440 : i32
          %parallel_loop3A_442 = arith.index_cast %parallel_loop3A_441 : i32 to index
          %parallel_loop3A_443 = tpu.vector_load %arg4[%parallel_loop3A_442] {strides = array<i32>} : memref<16384xi32, #tpu.memory_space<vmem>>, vector<16xi32>,
          %parallel_loop3A_444 = arith.constant 7 : i32
          %parallel_loop3A_445 = vector.broadcast %parallel_loop3A_444 : i32 to vector<16xi32>
          %parallel_loop3A_446 = arith.shli %parallel_loop3A_443, %parallel_loop3A_445 : vector<16xi32>
          %parallel_loop3A_447 = arith.constant 0 : i32
          %parallel_loop3A_448 = vector.broadcast %parallel_loop3A_447 : i32 to vector<16xi32>
          %parallel_loop3A_449 = arith.addi %parallel_loop3A_446, %parallel_loop3A_448 : vector<16xi32>
          %parallel_loop3A_450 = arith.addi %mul3A_275, %parallel_loop3A_440 : i32
          %parallel_loop3A_451 = arith.index_cast %parallel_loop3A_450 : i32 to index
          %parallel_loop3A_452 = tpu.vector_load %arg5[%parallel_loop3A_451] {strides = array<i32>} : memref<30720xi32, #tpu.memory_space<vmem>>, vector<16xi32>,
          tpu.vector_store %arg5[%parallel_loop3A_451], %parallel_loop3A_449 {strides = array<i32>} : memref<30720xi32, #tpu.memory_space<vmem>>, vector<16xi32>,
        } {sc.loop_unroll_factor = 2 : i64, sc.parallel_access}
      } else {
      }
      %eq3A_309 = arith.constant 4 : i32
      %eq3A_310 = arith.cmpi eq, %select_n3A_255, %eq3A_309 : i32
      %convert_element_type3A_311 = arith.extui %eq3A_310 : i1 to i32
      %cond3A_312 = arith.constant 0 : i32
      %cond3A_313 = arith.cmpi ne, %convert_element_type3A_311, %cond3A_312 : i32
      scf.if %cond3A_313 {
        %parallel_loop3A = arith.constant 0 : i32
        %parallel_loop3A_322 = arith.constant 16 : i32
        %parallel_loop3A_323 = arith.constant 1 : i32
        scf.for %parallel_loop3A_324 = %parallel_loop3A to %parallel_loop3A_322 step %parallel_loop3A_323  : i32 {
          %parallel_loop3A_325 = arith.constant 128 : i32
          %parallel_loop3A_326 = arith.muli %parallel_loop3A_324, %parallel_loop3A_325 : i32
          %parallel_loop3A_327 = arith.constant 0 : i32
          %parallel_loop3A_328 = arith.addi %parallel_loop3A_326, %parallel_loop3A_327 : i32
          %parallel_loop3A_329 = arith.addi %mul3A_277, %parallel_loop3A_328 : i32
          %parallel_loop3A_330 = arith.index_cast %parallel_loop3A_329 : i32 to index
          %parallel_loop3A_331 = tpu.vector_load %arg4[%parallel_loop3A_330] {strides = array<i32>} : memref<16384xi32, #tpu.memory_space<vmem>>, vector<16xi32>,
          %parallel_loop3A_332 = arith.constant 7 : i32
          %parallel_loop3A_333 = vector.broadcast %parallel_loop3A_332 : i32 to vector<16xi32>
          %parallel_loop3A_334 = arith.shli %parallel_loop3A_331, %parallel_loop3A_333 : vector<16xi32>
          %parallel_loop3A_335 = arith.constant 128 : i32
          %parallel_loop3A_336 = vector.broadcast %parallel_loop3A_335 : i32 to vector<16xi32>
          %parallel_loop3A_337 = arith.addi %parallel_loop3A_334, %parallel_loop3A_336 : vector<16xi32>
          %parallel_loop3A_338 = arith.addi %mul3A_275, %parallel_loop3A_328 : i32
          %parallel_loop3A_339 = arith.index_cast %parallel_loop3A_338 : i32 to index
          %parallel_loop3A_340 = tpu.vector_load %arg5[%parallel_loop3A_339] {strides = array<i32>} : memref<30720xi32, #tpu.memory_space<vmem>>, vector<16xi32>,
          tpu.vector_store %arg5[%parallel_loop3A_339], %parallel_loop3A_337 {strides = array<i32>} : memref<30720xi32, #tpu.memory_space<vmem>>, vector<16xi32>,
          %parallel_loop3A_341 = arith.constant 128 : i32
          %parallel_loop3A_342 = arith.muli %parallel_loop3A_324, %parallel_loop3A_341 : i32
          %parallel_loop3A_343 = arith.constant 16 : i32
          %parallel_loop3A_344 = arith.addi %parallel_loop3A_342, %parallel_loop3A_343 : i32
          %parallel_loop3A_345 = arith.addi %mul3A_277, %parallel_loop3A_344 : i32
          %parallel_loop3A_346 = arith.index_cast %parallel_loop3A_345 : i32 to index
          %parallel_loop3A_347 = tpu.vector_load %arg4[%parallel_loop3A_346] {strides = array<i32>} : memref<16384xi32, #tpu.memory_space<vmem>>, vector<16xi32>,
          %parallel_loop3A_348 = arith.constant 7 : i32
          %parallel_loop3A_349 = vector.broadcast %parallel_loop3A_348 : i32 to vector<16xi32>
          %parallel_loop3A_350 = arith.shli %parallel_loop3A_347, %parallel_loop3A_349 : vector<16xi32>
          %parallel_loop3A_351 = arith.constant 128 : i32
          %parallel_loop3A_352 = vector.broadcast %parallel_loop3A_351 : i32 to vector<16xi32>
          %parallel_loop3A_353 = arith.addi %parallel_loop3A_350, %parallel_loop3A_352 : vector<16xi32>
          %parallel_loop3A_354 = arith.addi %mul3A_275, %parallel_loop3A_344 : i32
          %parallel_loop3A_355 = arith.index_cast %parallel_loop3A_354 : i32 to index
          %parallel_loop3A_356 = tpu.vector_load %arg5[%parallel_loop3A_355] {strides = array<i32>} : memref<30720xi32, #tpu.memory_space<vmem>>, vector<16xi32>,
          tpu.vector_store %arg5[%parallel_loop3A_355], %parallel_loop3A_353 {strides = array<i32>} : memref<30720xi32, #tpu.memory_space<vmem>>, vector<16xi32>,
          %parallel_loop3A_357 = arith.constant 128 : i32
          %parallel_loop3A_358 = arith.muli %parallel_loop3A_324, %parallel_loop3A_357 : i32
          %parallel_loop3A_359 = arith.constant 32 : i32
          %parallel_loop3A_360 = arith.addi %parallel_loop3A_358, %parallel_loop3A_359 : i32
          %parallel_loop3A_361 = arith.addi %mul3A_277, %parallel_loop3A_360 : i32
          %parallel_loop3A_362 = arith.index_cast %parallel_loop3A_361 : i32 to index
          %parallel_loop3A_363 = tpu.vector_load %arg4[%parallel_loop3A_362] {strides = array<i32>} : memref<16384xi32, #tpu.memory_space<vmem>>, vector<16xi32>,
          %parallel_loop3A_364 = arith.constant 7 : i32
          %parallel_loop3A_365 = vector.broadcast %parallel_loop3A_364 : i32 to vector<16xi32>
          %parallel_loop3A_366 = arith.shli %parallel_loop3A_363, %parallel_loop3A_365 : vector<16xi32>
          %parallel_loop3A_367 = arith.constant 128 : i32
          %parallel_loop3A_368 = vector.broadcast %parallel_loop3A_367 : i32 to vector<16xi32>
          %parallel_loop3A_369 = arith.addi %parallel_loop3A_366, %parallel_loop3A_368 : vector<16xi32>
          %parallel_loop3A_370 = arith.addi %mul3A_275, %parallel_loop3A_360 : i32
          %parallel_loop3A_371 = arith.index_cast %parallel_loop3A_370 : i32 to index
          %parallel_loop3A_372 = tpu.vector_load %arg5[%parallel_loop3A_371] {strides = array<i32>} : memref<30720xi32, #tpu.memory_space<vmem>>, vector<16xi32>,
          tpu.vector_store %arg5[%parallel_loop3A_371], %parallel_loop3A_369 {strides = array<i32>} : memref<30720xi32, #tpu.memory_space<vmem>>, vector<16xi32>,
          %parallel_loop3A_373 = arith.constant 128 : i32
          %parallel_loop3A_374 = arith.muli %parallel_loop3A_324, %parallel_loop3A_373 : i32
          %parallel_loop3A_375 = arith.constant 48 : i32
          %parallel_loop3A_376 = arith.addi %parallel_loop3A_374, %parallel_loop3A_375 : i32
          %parallel_loop3A_377 = arith.addi %mul3A_277, %parallel_loop3A_376 : i32
          %parallel_loop3A_378 = arith.index_cast %parallel_loop3A_377 : i32 to index
          %parallel_loop3A_379 = tpu.vector_load %arg4[%parallel_loop3A_378] {strides = array<i32>} : memref<16384xi32, #tpu.memory_space<vmem>>, vector<16xi32>,
          %parallel_loop3A_380 = arith.constant 7 : i32
          %parallel_loop3A_381 = vector.broadcast %parallel_loop3A_380 : i32 to vector<16xi32>
          %parallel_loop3A_382 = arith.shli %parallel_loop3A_379, %parallel_loop3A_381 : vector<16xi32>
          %parallel_loop3A_383 = arith.constant 128 : i32
          %parallel_loop3A_384 = vector.broadcast %parallel_loop3A_383 : i32 to vector<16xi32>
          %parallel_loop3A_385 = arith.addi %parallel_loop3A_382, %parallel_loop3A_384 : vector<16xi32>
          %parallel_loop3A_386 = arith.addi %mul3A_275, %parallel_loop3A_376 : i32
          %parallel_loop3A_387 = arith.index_cast %parallel_loop3A_386 : i32 to index
          %parallel_loop3A_388 = tpu.vector_load %arg5[%parallel_loop3A_387] {strides = array<i32>} : memref<30720xi32, #tpu.memory_space<vmem>>, vector<16xi32>,
          tpu.vector_store %arg5[%parallel_loop3A_387], %parallel_loop3A_385 {strides = array<i32>} : memref<30720xi32, #tpu.memory_space<vmem>>, vector<16xi32>,
          %parallel_loop3A_389 = arith.constant 128 : i32
          %parallel_loop3A_390 = arith.muli %parallel_loop3A_324, %parallel_loop3A_389 : i32
          %parallel_loop3A_391 = arith.constant 64 : i32
          %parallel_loop3A_392 = arith.addi %parallel_loop3A_390, %parallel_loop3A_391 : i32
          %parallel_loop3A_393 = arith.addi %mul3A_277, %parallel_loop3A_392 : i32
          %parallel_loop3A_394 = arith.index_cast %parallel_loop3A_393 : i32 to index
          %parallel_loop3A_395 = tpu.vector_load %arg4[%parallel_loop3A_394] {strides = array<i32>} : memref<16384xi32, #tpu.memory_space<vmem>>, vector<16xi32>,
          %parallel_loop3A_396 = arith.constant 7 : i32
          %parallel_loop3A_397 = vector.broadcast %parallel_loop3A_396 : i32 to vector<16xi32>
          %parallel_loop3A_398 = arith.shli %parallel_loop3A_395, %parallel_loop3A_397 : vector<16xi32>
          %parallel_loop3A_399 = arith.constant 128 : i32
          %parallel_loop3A_400 = vector.broadcast %parallel_loop3A_399 : i32 to vector<16xi32>
          %parallel_loop3A_401 = arith.addi %parallel_loop3A_398, %parallel_loop3A_400 : vector<16xi32>
          %parallel_loop3A_402 = arith.addi %mul3A_275, %parallel_loop3A_392 : i32
          %parallel_loop3A_403 = arith.index_cast %parallel_loop3A_402 : i32 to index
          %parallel_loop3A_404 = tpu.vector_load %arg5[%parallel_loop3A_403] {strides = array<i32>} : memref<30720xi32, #tpu.memory_space<vmem>>, vector<16xi32>,
          tpu.vector_store %arg5[%parallel_loop3A_403], %parallel_loop3A_401 {strides = array<i32>} : memref<30720xi32, #tpu.memory_space<vmem>>, vector<16xi32>,
          %parallel_loop3A_405 = arith.constant 128 : i32
          %parallel_loop3A_406 = arith.muli %parallel_loop3A_324, %parallel_loop3A_405 : i32
          %parallel_loop3A_407 = arith.constant 80 : i32
          %parallel_loop3A_408 = arith.addi %parallel_loop3A_406, %parallel_loop3A_407 : i32
          %parallel_loop3A_409 = arith.addi %mul3A_277, %parallel_loop3A_408 : i32
          %parallel_loop3A_410 = arith.index_cast %parallel_loop3A_409 : i32 to index
          %parallel_loop3A_411 = tpu.vector_load %arg4[%parallel_loop3A_410] {strides = array<i32>} : memref<16384xi32, #tpu.memory_space<vmem>>, vector<16xi32>,
          %parallel_loop3A_412 = arith.constant 7 : i32
          %parallel_loop3A_413 = vector.broadcast %parallel_loop3A_412 : i32 to vector<16xi32>
          %parallel_loop3A_414 = arith.shli %parallel_loop3A_411, %parallel_loop3A_413 : vector<16xi32>
          %parallel_loop3A_415 = arith.constant 128 : i32
          %parallel_loop3A_416 = vector.broadcast %parallel_loop3A_415 : i32 to vector<16xi32>
          %parallel_loop3A_417 = arith.addi %parallel_loop3A_414, %parallel_loop3A_416 : vector<16xi32>
          %parallel_loop3A_418 = arith.addi %mul3A_275, %parallel_loop3A_408 : i32
          %parallel_loop3A_419 = arith.index_cast %parallel_loop3A_418 : i32 to index
          %parallel_loop3A_420 = tpu.vector_load %arg5[%parallel_loop3A_419] {strides = array<i32>} : memref<30720xi32, #tpu.memory_space<vmem>>, vector<16xi32>,
          tpu.vector_store %arg5[%parallel_loop3A_419], %parallel_loop3A_417 {strides = array<i32>} : memref<30720xi32, #tpu.memory_space<vmem>>, vector<16xi32>,
          %parallel_loop3A_421 = arith.constant 128 : i32
          %parallel_loop3A_422 = arith.muli %parallel_loop3A_324, %parallel_loop3A_421 : i32
          %parallel_loop3A_423 = arith.constant 96 : i32
          %parallel_loop3A_424 = arith.addi %parallel_loop3A_422, %parallel_loop3A_423 : i32
          %parallel_loop3A_425 = arith.addi %mul3A_277, %parallel_loop3A_424 : i32
          %parallel_loop3A_426 = arith.index_cast %parallel_loop3A_425 : i32 to index
          %parallel_loop3A_427 = tpu.vector_load %arg4[%parallel_loop3A_426] {strides = array<i32>} : memref<16384xi32, #tpu.memory_space<vmem>>, vector<16xi32>,
          %parallel_loop3A_428 = arith.constant 7 : i32
          %parallel_loop3A_429 = vector.broadcast %parallel_loop3A_428 : i32 to vector<16xi32>
          %parallel_loop3A_430 = arith.shli %parallel_loop3A_427, %parallel_loop3A_429 : vector<16xi32>
          %parallel_loop3A_431 = arith.constant 128 : i32
          %parallel_loop3A_432 = vector.broadcast %parallel_loop3A_431 : i32 to vector<16xi32>
          %parallel_loop3A_433 = arith.addi %parallel_loop3A_430, %parallel_loop3A_432 : vector<16xi32>
          %parallel_loop3A_434 = arith.addi %mul3A_275, %parallel_loop3A_424 : i32
          %parallel_loop3A_435 = arith.index_cast %parallel_loop3A_434 : i32 to index
          %parallel_loop3A_436 = tpu.vector_load %arg5[%parallel_loop3A_435] {strides = array<i32>} : memref<30720xi32, #tpu.memory_space<vmem>>, vector<16xi32>,
          tpu.vector_store %arg5[%parallel_loop3A_435], %parallel_loop3A_433 {strides = array<i32>} : memref<30720xi32, #tpu.memory_space<vmem>>, vector<16xi32>,
          %parallel_loop3A_437 = arith.constant 128 : i32
          %parallel_loop3A_438 = arith.muli %parallel_loop3A_324, %parallel_loop3A_437 : i32
          %parallel_loop3A_439 = arith.constant 112 : i32
          %parallel_loop3A_440 = arith.addi %parallel_loop3A_438, %parallel_loop3A_439 : i32
          %parallel_loop3A_441 = arith.addi %mul3A_277, %parallel_loop3A_440 : i32
          %parallel_loop3A_442 = arith.index_cast %parallel_loop3A_441 : i32 to index
          %parallel_loop3A_443 = tpu.vector_load %arg4[%parallel_loop3A_442] {strides = array<i32>} : memref<16384xi32, #tpu.memory_space<vmem>>, vector<16xi32>,
          %parallel_loop3A_444 = arith.constant 7 : i32
          %parallel_loop3A_445 = vector.broadcast %parallel_loop3A_444 : i32 to vector<16xi32>
          %parallel_loop3A_446 = arith.shli %parallel_loop3A_443, %parallel_loop3A_445 : vector<16xi32>
          %parallel_loop3A_447 = arith.constant 128 : i32
          %parallel_loop3A_448 = vector.broadcast %parallel_loop3A_447 : i32 to vector<16xi32>
          %parallel_loop3A_449 = arith.addi %parallel_loop3A_446, %parallel_loop3A_448 : vector<16xi32>
          %parallel_loop3A_450 = arith.addi %mul3A_275, %parallel_loop3A_440 : i32
          %parallel_loop3A_451 = arith.index_cast %parallel_loop3A_450 : i32 to index
          %parallel_loop3A_452 = tpu.vector_load %arg5[%parallel_loop3A_451] {strides = array<i32>} : memref<30720xi32, #tpu.memory_space<vmem>>, vector<16xi32>,
          tpu.vector_store %arg5[%parallel_loop3A_451], %parallel_loop3A_449 {strides = array<i32>} : memref<30720xi32, #tpu.memory_space<vmem>>, vector<16xi32>,
        } {sc.loop_unroll_factor = 2 : i64, sc.parallel_access}
      } else {
      }
      %mul3A_314 = arith.constant 30720 : i32
      %mul3A_315 = arith.muli %add3A, %mul3A_314 : i32
      %add3A_316 = arith.addi %mul3A_315, %mul3A_275 : i32
      %dma_start3A_317 = tpu.memref_slice %arg5[%mul3A_275] : memref<30720xi32, #tpu.memory_space<vmem>> -> memref<2048xi32, #tpu.memory_space<vmem>>
      %dma_start3A_318 = tpu.memref_slice %arg3[%add3A_316] : memref<983040xi32, #tpu.memory_space<hbm>> -> memref<2048xi32, #tpu.memory_space<hbm>>
      %dma_start3A_319 = tpu.memref_slice %arg3[%add3A_316] : memref<983040xi32, #tpu.memory_space<hbm>> -> memref<2048xi32, #tpu.memory_space<hbm>>
      %dma_start3A_320 = tpu.memref_slice %arg5[%mul3A_275] : memref<30720xi32, #tpu.memory_space<vmem>> -> memref<2048xi32, #tpu.memory_space<vmem>>
      tpu.enqueue_dma source(%dma_start3A_320 : memref<2048xi32, #tpu.memory_space<vmem>>) target(%dma_start3A_319 : memref<2048xi32, #tpu.memory_space<hbm>>) target_semaphore(%arg7 : memref<!tpu.dma_semaphore, #tpu.memory_space<semaphore_mem>>)
      %convert_element_type3A_321 = arith.extui %ge3A_278 : i1 to i32
      %or3A = arith.ori %scan3A_189, %convert_element_type3A_321 : i32
      scf.yield %or3A : i32
    }
    %scan3A_36 = arith.constant 15 : i32
    %eq3A = arith.constant 0 : i32
    %eq3A_37 = arith.cmpi eq, %scan3A_35, %eq3A : i32
    %convert_element_type3A = arith.extui %eq3A_37 : i1 to i32
    %cond3A = arith.constant 0 : i32
    %cond3A_38 = arith.cmpi ne, %convert_element_type3A, %cond3A : i32
    scf.if %cond3A_38 {
      %dma_wait3A_188 = tpu.memref_slice %arg2[%mul3A_28] : memref<196608xi32, #tpu.memory_space<hbm>> -> memref<16384xi32, #tpu.memory_space<hbm>>
      %dma_wait3A_189 = tpu.memref_slice %arg2[%mul3A_28] : memref<196608xi32, #tpu.memory_space<hbm>> -> memref<16384xi32, #tpu.memory_space<hbm>>
      tpu.wait_dma2 semaphore(%arg6 : memref<!tpu.dma_semaphore, #tpu.memory_space<semaphore_mem>>) src(%dma_wait3A_189 : memref<16384xi32, #tpu.memory_space<hbm>>) dst(%arg4 : memref<16384xi32, #tpu.memory_space<vmem>>)
    } else {
    }
    %mul3A_39 = arith.constant 30720 : i32
    %mul3A_40 = arith.muli %add3A, %mul3A_39 : i32
    %add3A_41 = arith.constant 0 : i32
    %add3A_42 = arith.addi %mul3A_40, %add3A_41 : i32
    %dma_wait3A = arith.constant 0 : i32
    %dma_wait3A_43 = tpu.memref_slice %arg5[%dma_wait3A] : memref<30720xi32, #tpu.memory_space<vmem>> -> memref<2048xi32, #tpu.memory_space<vmem>>
    %dma_wait3A_44 = tpu.memref_slice %arg3[%add3A_42] : memref<983040xi32, #tpu.memory_space<hbm>> -> memref<2048xi32, #tpu.memory_space<hbm>>
    %dma_wait3A_45 = tpu.memref_slice %arg3[%add3A_42] : memref<983040xi32, #tpu.memory_space<hbm>> -> memref<2048xi32, #tpu.memory_space<hbm>>
    %dma_wait3A_46 = arith.constant 0 : i32
    %dma_wait3A_47 = tpu.memref_slice %arg5[%dma_wait3A_46] : memref<30720xi32, #tpu.memory_space<vmem>> -> memref<2048xi32, #tpu.memory_space<vmem>>
    tpu.wait_dma2 semaphore(%arg7 : memref<!tpu.dma_semaphore, #tpu.memory_space<semaphore_mem>>) src(%dma_wait3A_47 : memref<2048xi32, #tpu.memory_space<vmem>>) dst(%dma_wait3A_45 : memref<2048xi32, #tpu.memory_space<hbm>>)
    %mul3A_48 = arith.constant 30720 : i32
    %mul3A_49 = arith.muli %add3A, %mul3A_48 : i32
    %add3A_50 = arith.constant 2048 : i32
    %add3A_51 = arith.addi %mul3A_49, %add3A_50 : i32
    %dma_wait3A_52 = arith.constant 2048 : i32
    %dma_wait3A_53 = tpu.memref_slice %arg5[%dma_wait3A_52] : memref<30720xi32, #tpu.memory_space<vmem>> -> memref<2048xi32, #tpu.memory_space<vmem>>
    %dma_wait3A_54 = tpu.memref_slice %arg3[%add3A_51] : memref<983040xi32, #tpu.memory_space<hbm>> -> memref<2048xi32, #tpu.memory_space<hbm>>
    %dma_wait3A_55 = tpu.memref_slice %arg3[%add3A_51] : memref<983040xi32, #tpu.memory_space<hbm>> -> memref<2048xi32, #tpu.memory_space<hbm>>
    %dma_wait3A_56 = arith.constant 2048 : i32
    %dma_wait3A_57 = tpu.memref_slice %arg5[%dma_wait3A_56] : memref<30720xi32, #tpu.memory_space<vmem>> -> memref<2048xi32, #tpu.memory_space<vmem>>
    tpu.wait_dma2 semaphore(%arg7 : memref<!tpu.dma_semaphore, #tpu.memory_space<semaphore_mem>>) src(%dma_wait3A_57 : memref<2048xi32, #tpu.memory_space<vmem>>) dst(%dma_wait3A_55 : memref<2048xi32, #tpu.memory_space<hbm>>)
    %mul3A_58 = arith.constant 30720 : i32
    %mul3A_59 = arith.muli %add3A, %mul3A_58 : i32
    %add3A_60 = arith.constant 4096 : i32
    %add3A_61 = arith.addi %mul3A_59, %add3A_60 : i32
    %dma_wait3A_62 = arith.constant 4096 : i32
    %dma_wait3A_63 = tpu.memref_slice %arg5[%dma_wait3A_62] : memref<30720xi32, #tpu.memory_space<vmem>> -> memref<2048xi32, #tpu.memory_space<vmem>>
    %dma_wait3A_64 = tpu.memref_slice %arg3[%add3A_61] : memref<983040xi32, #tpu.memory_space<hbm>> -> memref<2048xi32, #tpu.memory_space<hbm>>
    %dma_wait3A_65 = tpu.memref_slice %arg3[%add3A_61] : memref<983040xi32, #tpu.memory_space<hbm>> -> memref<2048xi32, #tpu.memory_space<hbm>>
    %dma_wait3A_66 = arith.constant 4096 : i32
    %dma_wait3A_67 = tpu.memref_slice %arg5[%dma_wait3A_66] : memref<30720xi32, #tpu.memory_space<vmem>> -> memref<2048xi32, #tpu.memory_space<vmem>>
    tpu.wait_dma2 semaphore(%arg7 : memref<!tpu.dma_semaphore, #tpu.memory_space<semaphore_mem>>) src(%dma_wait3A_67 : memref<2048xi32, #tpu.memory_space<vmem>>) dst(%dma_wait3A_65 : memref<2048xi32, #tpu.memory_space<hbm>>)
    %mul3A_68 = arith.constant 30720 : i32
    %mul3A_69 = arith.muli %add3A, %mul3A_68 : i32
    %add3A_70 = arith.constant 6144 : i32
    %add3A_71 = arith.addi %mul3A_69, %add3A_70 : i32
    %dma_wait3A_72 = arith.constant 6144 : i32
    %dma_wait3A_73 = tpu.memref_slice %arg5[%dma_wait3A_72] : memref<30720xi32, #tpu.memory_space<vmem>> -> memref<2048xi32, #tpu.memory_space<vmem>>
    %dma_wait3A_74 = tpu.memref_slice %arg3[%add3A_71] : memref<983040xi32, #tpu.memory_space<hbm>> -> memref<2048xi32, #tpu.memory_space<hbm>>
    %dma_wait3A_75 = tpu.memref_slice %arg3[%add3A_71] : memref<983040xi32, #tpu.memory_space<hbm>> -> memref<2048xi32, #tpu.memory_space<hbm>>
    %dma_wait3A_76 = arith.constant 6144 : i32
    %dma_wait3A_77 = tpu.memref_slice %arg5[%dma_wait3A_76] : memref<30720xi32, #tpu.memory_space<vmem>> -> memref<2048xi32, #tpu.memory_space<vmem>>
    tpu.wait_dma2 semaphore(%arg7 : memref<!tpu.dma_semaphore, #tpu.memory_space<semaphore_mem>>) src(%dma_wait3A_77 : memref<2048xi32, #tpu.memory_space<vmem>>) dst(%dma_wait3A_75 : memref<2048xi32, #tpu.memory_space<hbm>>)
    %mul3A_78 = arith.constant 30720 : i32
    %mul3A_79 = arith.muli %add3A, %mul3A_78 : i32
    %add3A_80 = arith.constant 8192 : i32
    %add3A_81 = arith.addi %mul3A_79, %add3A_80 : i32
    %dma_wait3A_82 = arith.constant 8192 : i32
    %dma_wait3A_83 = tpu.memref_slice %arg5[%dma_wait3A_82] : memref<30720xi32, #tpu.memory_space<vmem>> -> memref<2048xi32, #tpu.memory_space<vmem>>
    %dma_wait3A_84 = tpu.memref_slice %arg3[%add3A_81] : memref<983040xi32, #tpu.memory_space<hbm>> -> memref<2048xi32, #tpu.memory_space<hbm>>
    %dma_wait3A_85 = tpu.memref_slice %arg3[%add3A_81] : memref<983040xi32, #tpu.memory_space<hbm>> -> memref<2048xi32, #tpu.memory_space<hbm>>
    %dma_wait3A_86 = arith.constant 8192 : i32
    %dma_wait3A_87 = tpu.memref_slice %arg5[%dma_wait3A_86] : memref<30720xi32, #tpu.memory_space<vmem>> -> memref<2048xi32, #tpu.memory_space<vmem>>
    tpu.wait_dma2 semaphore(%arg7 : memref<!tpu.dma_semaphore, #tpu.memory_space<semaphore_mem>>) src(%dma_wait3A_87 : memref<2048xi32, #tpu.memory_space<vmem>>) dst(%dma_wait3A_85 : memref<2048xi32, #tpu.memory_space<hbm>>)
    %mul3A_88 = arith.constant 30720 : i32
    %mul3A_89 = arith.muli %add3A, %mul3A_88 : i32
    %add3A_90 = arith.constant 10240 : i32
    %add3A_91 = arith.addi %mul3A_89, %add3A_90 : i32
    %dma_wait3A_92 = arith.constant 10240 : i32
    %dma_wait3A_93 = tpu.memref_slice %arg5[%dma_wait3A_92] : memref<30720xi32, #tpu.memory_space<vmem>> -> memref<2048xi32, #tpu.memory_space<vmem>>
    %dma_wait3A_94 = tpu.memref_slice %arg3[%add3A_91] : memref<983040xi32, #tpu.memory_space<hbm>> -> memref<2048xi32, #tpu.memory_space<hbm>>
    %dma_wait3A_95 = tpu.memref_slice %arg3[%add3A_91] : memref<983040xi32, #tpu.memory_space<hbm>> -> memref<2048xi32, #tpu.memory_space<hbm>>
    %dma_wait3A_96 = arith.constant 10240 : i32
    %dma_wait3A_97 = tpu.memref_slice %arg5[%dma_wait3A_96] : memref<30720xi32, #tpu.memory_space<vmem>> -> memref<2048xi32, #tpu.memory_space<vmem>>
    tpu.wait_dma2 semaphore(%arg7 : memref<!tpu.dma_semaphore, #tpu.memory_space<semaphore_mem>>) src(%dma_wait3A_97 : memref<2048xi32, #tpu.memory_space<vmem>>) dst(%dma_wait3A_95 : memref<2048xi32, #tpu.memory_space<hbm>>)
    %mul3A_98 = arith.constant 30720 : i32
    %mul3A_99 = arith.muli %add3A, %mul3A_98 : i32
    %add3A_100 = arith.constant 12288 : i32
    %add3A_101 = arith.addi %mul3A_99, %add3A_100 : i32
    %dma_wait3A_102 = arith.constant 12288 : i32
    %dma_wait3A_103 = tpu.memref_slice %arg5[%dma_wait3A_102] : memref<30720xi32, #tpu.memory_space<vmem>> -> memref<2048xi32, #tpu.memory_space<vmem>>
    %dma_wait3A_104 = tpu.memref_slice %arg3[%add3A_101] : memref<983040xi32, #tpu.memory_space<hbm>> -> memref<2048xi32, #tpu.memory_space<hbm>>
    %dma_wait3A_105 = tpu.memref_slice %arg3[%add3A_101] : memref<983040xi32, #tpu.memory_space<hbm>> -> memref<2048xi32, #tpu.memory_space<hbm>>
    %dma_wait3A_106 = arith.constant 12288 : i32
    %dma_wait3A_107 = tpu.memref_slice %arg5[%dma_wait3A_106] : memref<30720xi32, #tpu.memory_space<vmem>> -> memref<2048xi32, #tpu.memory_space<vmem>>
    tpu.wait_dma2 semaphore(%arg7 : memref<!tpu.dma_semaphore, #tpu.memory_space<semaphore_mem>>) src(%dma_wait3A_107 : memref<2048xi32, #tpu.memory_space<vmem>>) dst(%dma_wait3A_105 : memref<2048xi32, #tpu.memory_space<hbm>>)
    %mul3A_108 = arith.constant 30720 : i32
    %mul3A_109 = arith.muli %add3A, %mul3A_108 : i32
    %add3A_110 = arith.constant 14336 : i32
    %add3A_111 = arith.addi %mul3A_109, %add3A_110 : i32
    %dma_wait3A_112 = arith.constant 14336 : i32
    %dma_wait3A_113 = tpu.memref_slice %arg5[%dma_wait3A_112] : memref<30720xi32, #tpu.memory_space<vmem>> -> memref<2048xi32, #tpu.memory_space<vmem>>
    %dma_wait3A_114 = tpu.memref_slice %arg3[%add3A_111] : memref<983040xi32, #tpu.memory_space<hbm>> -> memref<2048xi32, #tpu.memory_space<hbm>>
    %dma_wait3A_115 = tpu.memref_slice %arg3[%add3A_111] : memref<983040xi32, #tpu.memory_space<hbm>> -> memref<2048xi32, #tpu.memory_space<hbm>>
    %dma_wait3A_116 = arith.constant 14336 : i32
    %dma_wait3A_117 = tpu.memref_slice %arg5[%dma_wait3A_116] : memref<30720xi32, #tpu.memory_space<vmem>> -> memref<2048xi32, #tpu.memory_space<vmem>>
    tpu.wait_dma2 semaphore(%arg7 : memref<!tpu.dma_semaphore, #tpu.memory_space<semaphore_mem>>) src(%dma_wait3A_117 : memref<2048xi32, #tpu.memory_space<vmem>>) dst(%dma_wait3A_115 : memref<2048xi32, #tpu.memory_space<hbm>>)
    %mul3A_118 = arith.constant 30720 : i32
    %mul3A_119 = arith.muli %add3A, %mul3A_118 : i32
    %add3A_120 = arith.constant 16384 : i32
    %add3A_121 = arith.addi %mul3A_119, %add3A_120 : i32
    %dma_wait3A_122 = arith.constant 16384 : i32
    %dma_wait3A_123 = tpu.memref_slice %arg5[%dma_wait3A_122] : memref<30720xi32, #tpu.memory_space<vmem>> -> memref<2048xi32, #tpu.memory_space<vmem>>
    %dma_wait3A_124 = tpu.memref_slice %arg3[%add3A_121] : memref<983040xi32, #tpu.memory_space<hbm>> -> memref<2048xi32, #tpu.memory_space<hbm>>
    %dma_wait3A_125 = tpu.memref_slice %arg3[%add3A_121] : memref<983040xi32, #tpu.memory_space<hbm>> -> memref<2048xi32, #tpu.memory_space<hbm>>
    %dma_wait3A_126 = arith.constant 16384 : i32
    %dma_wait3A_127 = tpu.memref_slice %arg5[%dma_wait3A_126] : memref<30720xi32, #tpu.memory_space<vmem>> -> memref<2048xi32, #tpu.memory_space<vmem>>
    tpu.wait_dma2 semaphore(%arg7 : memref<!tpu.dma_semaphore, #tpu.memory_space<semaphore_mem>>) src(%dma_wait3A_127 : memref<2048xi32, #tpu.memory_space<vmem>>) dst(%dma_wait3A_125 : memref<2048xi32, #tpu.memory_space<hbm>>)
    %mul3A_128 = arith.constant 30720 : i32
    %mul3A_129 = arith.muli %add3A, %mul3A_128 : i32
    %add3A_130 = arith.constant 18432 : i32
    %add3A_131 = arith.addi %mul3A_129, %add3A_130 : i32
    %dma_wait3A_132 = arith.constant 18432 : i32
    %dma_wait3A_133 = tpu.memref_slice %arg5[%dma_wait3A_132] : memref<30720xi32, #tpu.memory_space<vmem>> -> memref<2048xi32, #tpu.memory_space<vmem>>
    %dma_wait3A_134 = tpu.memref_slice %arg3[%add3A_131] : memref<983040xi32, #tpu.memory_space<hbm>> -> memref<2048xi32, #tpu.memory_space<hbm>>
    %dma_wait3A_135 = tpu.memref_slice %arg3[%add3A_131] : memref<983040xi32, #tpu.memory_space<hbm>> -> memref<2048xi32, #tpu.memory_space<hbm>>
    %dma_wait3A_136 = arith.constant 18432 : i32
    %dma_wait3A_137 = tpu.memref_slice %arg5[%dma_wait3A_136] : memref<30720xi32, #tpu.memory_space<vmem>> -> memref<2048xi32, #tpu.memory_space<vmem>>
    tpu.wait_dma2 semaphore(%arg7 : memref<!tpu.dma_semaphore, #tpu.memory_space<semaphore_mem>>) src(%dma_wait3A_137 : memref<2048xi32, #tpu.memory_space<vmem>>) dst(%dma_wait3A_135 : memref<2048xi32, #tpu.memory_space<hbm>>)
    %mul3A_138 = arith.constant 30720 : i32
    %mul3A_139 = arith.muli %add3A, %mul3A_138 : i32
    %add3A_140 = arith.constant 20480 : i32
    %add3A_141 = arith.addi %mul3A_139, %add3A_140 : i32
    %dma_wait3A_142 = arith.constant 20480 : i32
    %dma_wait3A_143 = tpu.memref_slice %arg5[%dma_wait3A_142] : memref<30720xi32, #tpu.memory_space<vmem>> -> memref<2048xi32, #tpu.memory_space<vmem>>
    %dma_wait3A_144 = tpu.memref_slice %arg3[%add3A_141] : memref<983040xi32, #tpu.memory_space<hbm>> -> memref<2048xi32, #tpu.memory_space<hbm>>
    %dma_wait3A_145 = tpu.memref_slice %arg3[%add3A_141] : memref<983040xi32, #tpu.memory_space<hbm>> -> memref<2048xi32, #tpu.memory_space<hbm>>
    %dma_wait3A_146 = arith.constant 20480 : i32
    %dma_wait3A_147 = tpu.memref_slice %arg5[%dma_wait3A_146] : memref<30720xi32, #tpu.memory_space<vmem>> -> memref<2048xi32, #tpu.memory_space<vmem>>
    tpu.wait_dma2 semaphore(%arg7 : memref<!tpu.dma_semaphore, #tpu.memory_space<semaphore_mem>>) src(%dma_wait3A_147 : memref<2048xi32, #tpu.memory_space<vmem>>) dst(%dma_wait3A_145 : memref<2048xi32, #tpu.memory_space<hbm>>)
    %mul3A_148 = arith.constant 30720 : i32
    %mul3A_149 = arith.muli %add3A, %mul3A_148 : i32
    %add3A_150 = arith.constant 22528 : i32
    %add3A_151 = arith.addi %mul3A_149, %add3A_150 : i32
    %dma_wait3A_152 = arith.constant 22528 : i32
    %dma_wait3A_153 = tpu.memref_slice %arg5[%dma_wait3A_152] : memref<30720xi32, #tpu.memory_space<vmem>> -> memref<2048xi32, #tpu.memory_space<vmem>>
    %dma_wait3A_154 = tpu.memref_slice %arg3[%add3A_151] : memref<983040xi32, #tpu.memory_space<hbm>> -> memref<2048xi32, #tpu.memory_space<hbm>>
    %dma_wait3A_155 = tpu.memref_slice %arg3[%add3A_151] : memref<983040xi32, #tpu.memory_space<hbm>> -> memref<2048xi32, #tpu.memory_space<hbm>>
    %dma_wait3A_156 = arith.constant 22528 : i32
    %dma_wait3A_157 = tpu.memref_slice %arg5[%dma_wait3A_156] : memref<30720xi32, #tpu.memory_space<vmem>> -> memref<2048xi32, #tpu.memory_space<vmem>>
    tpu.wait_dma2 semaphore(%arg7 : memref<!tpu.dma_semaphore, #tpu.memory_space<semaphore_mem>>) src(%dma_wait3A_157 : memref<2048xi32, #tpu.memory_space<vmem>>) dst(%dma_wait3A_155 : memref<2048xi32, #tpu.memory_space<hbm>>)
    %mul3A_158 = arith.constant 30720 : i32
    %mul3A_159 = arith.muli %add3A, %mul3A_158 : i32
    %add3A_160 = arith.constant 24576 : i32
    %add3A_161 = arith.addi %mul3A_159, %add3A_160 : i32
    %dma_wait3A_162 = arith.constant 24576 : i32
    %dma_wait3A_163 = tpu.memref_slice %arg5[%dma_wait3A_162] : memref<30720xi32, #tpu.memory_space<vmem>> -> memref<2048xi32, #tpu.memory_space<vmem>>
    %dma_wait3A_164 = tpu.memref_slice %arg3[%add3A_161] : memref<983040xi32, #tpu.memory_space<hbm>> -> memref<2048xi32, #tpu.memory_space<hbm>>
    %dma_wait3A_165 = tpu.memref_slice %arg3[%add3A_161] : memref<983040xi32, #tpu.memory_space<hbm>> -> memref<2048xi32, #tpu.memory_space<hbm>>
    %dma_wait3A_166 = arith.constant 24576 : i32
    %dma_wait3A_167 = tpu.memref_slice %arg5[%dma_wait3A_166] : memref<30720xi32, #tpu.memory_space<vmem>> -> memref<2048xi32, #tpu.memory_space<vmem>>
    tpu.wait_dma2 semaphore(%arg7 : memref<!tpu.dma_semaphore, #tpu.memory_space<semaphore_mem>>) src(%dma_wait3A_167 : memref<2048xi32, #tpu.memory_space<vmem>>) dst(%dma_wait3A_165 : memref<2048xi32, #tpu.memory_space<hbm>>)
    %mul3A_168 = arith.constant 30720 : i32
    %mul3A_169 = arith.muli %add3A, %mul3A_168 : i32
    %add3A_170 = arith.constant 26624 : i32
    %add3A_171 = arith.addi %mul3A_169, %add3A_170 : i32
    %dma_wait3A_172 = arith.constant 26624 : i32
    %dma_wait3A_173 = tpu.memref_slice %arg5[%dma_wait3A_172] : memref<30720xi32, #tpu.memory_space<vmem>> -> memref<2048xi32, #tpu.memory_space<vmem>>
    %dma_wait3A_174 = tpu.memref_slice %arg3[%add3A_171] : memref<983040xi32, #tpu.memory_space<hbm>> -> memref<2048xi32, #tpu.memory_space<hbm>>
    %dma_wait3A_175 = tpu.memref_slice %arg3[%add3A_171] : memref<983040xi32, #tpu.memory_space<hbm>> -> memref<2048xi32, #tpu.memory_space<hbm>>
    %dma_wait3A_176 = arith.constant 26624 : i32
    %dma_wait3A_177 = tpu.memref_slice %arg5[%dma_wait3A_176] : memref<30720xi32, #tpu.memory_space<vmem>> -> memref<2048xi32, #tpu.memory_space<vmem>>
    tpu.wait_dma2 semaphore(%arg7 : memref<!tpu.dma_semaphore, #tpu.memory_space<semaphore_mem>>) src(%dma_wait3A_177 : memref<2048xi32, #tpu.memory_space<vmem>>) dst(%dma_wait3A_175 : memref<2048xi32, #tpu.memory_space<hbm>>)
    %mul3A_178 = arith.constant 30720 : i32
    %mul3A_179 = arith.muli %add3A, %mul3A_178 : i32
    %add3A_180 = arith.constant 28672 : i32
    %add3A_181 = arith.addi %mul3A_179, %add3A_180 : i32
    %dma_wait3A_182 = arith.constant 28672 : i32
    %dma_wait3A_183 = tpu.memref_slice %arg5[%dma_wait3A_182] : memref<30720xi32, #tpu.memory_space<vmem>> -> memref<2048xi32, #tpu.memory_space<vmem>>
    %dma_wait3A_184 = tpu.memref_slice %arg3[%add3A_181] : memref<983040xi32, #tpu.memory_space<hbm>> -> memref<2048xi32, #tpu.memory_space<hbm>>
    %dma_wait3A_185 = tpu.memref_slice %arg3[%add3A_181] : memref<983040xi32, #tpu.memory_space<hbm>> -> memref<2048xi32, #tpu.memory_space<hbm>>
    %dma_wait3A_186 = arith.constant 28672 : i32
    %dma_wait3A_187 = tpu.memref_slice %arg5[%dma_wait3A_186] : memref<30720xi32, #tpu.memory_space<vmem>> -> memref<2048xi32, #tpu.memory_space<vmem>>
    tpu.wait_dma2 semaphore(%arg7 : memref<!tpu.dma_semaphore, #tpu.memory_space<semaphore_mem>>) src(%dma_wait3A_187 : memref<2048xi32, #tpu.memory_space<vmem>>) dst(%dma_wait3A_185 : memref<2048xi32, #tpu.memory_space<hbm>>)
    return
  }
}

module attributes {stable_mosaic.version = 14 : i64} {
  func.func @body(%arg0: i32, %arg1: memref<96x256xi32, #tpu.memory_space<vmem>>, %arg2: memref<5x3072xi32, #tpu.memory_space<vmem>>, %arg3: memref<96x256xi8, #tpu.memory_space<vmem>>) attributes {dimension_semantics = [#tpu.dimension_semantics<arbitrary>], iteration_bounds = array<i64: 8>, scalar_prefetch = 0 : i64, scratch_operands = 0 : i64, tpu.core_type = #tpu.core_type<tc>, window_params = [{transform_indices = @transform_0, window_bounds = array<i64: 96, 256>}, {transform_indices = @transform_1, window_bounds = array<i64: 5, 3072>}, {transform_indices = @transform_2, window_bounds = array<i64: 96, 256>}]} {
    %mul3A = arith.constant 3072 : i32
    %mul3A_0 = arith.muli %arg0, %mul3A : i32
    %iota3A = tpu.iota {dimensions = array<i32: 1>} : vector<5x3072xi32>
    %add3A = vector.broadcast %mul3A_0 : i32 to vector<5x3072xi32>
    %add3A_1 = arith.addi %add3A, %iota3A : vector<5x3072xi32>
    %iota3A_2 = tpu.iota {dimensions = array<i32: 0>} : vector<5x3072xi32>
    %and3A = arith.constant 2047 : i32
    %and3A_3 = vector.broadcast %and3A : i32 to vector<5x3072xi32>
    %and3A_4 = arith.andi %add3A_1, %and3A_3 : vector<5x3072xi32>
    %eq3A = arith.constant 1 : i32
    %eq3A_5 = vector.broadcast %eq3A : i32 to vector<5x3072xi32>
    %eq3A_6 = arith.cmpi eq, %iota3A_2, %eq3A_5 : vector<5x3072xi32>
    %shift_right_arithmetic3A = arith.constant 11 : i32
    %shift_right_arithmetic3A_7 = vector.broadcast %shift_right_arithmetic3A : i32 to vector<5x3072xi32>
    %shift_right_arithmetic3A_8 = arith.shrsi %add3A_1, %shift_right_arithmetic3A_7 : vector<5x3072xi32>
    %jit3A = arith.constant 0 : i32
    %broadcast_in_dim3A = vector.broadcast %jit3A : i32 to vector<5x3072xi32>
    %select_n3A = arith.select %eq3A_6, %shift_right_arithmetic3A_8, %broadcast_in_dim3A : vector<5x3072xi1>, vector<5x3072xi32>
    %eq3A_9 = arith.constant 2 : i32
    %eq3A_10 = vector.broadcast %eq3A_9 : i32 to vector<5x3072xi32>
    %eq3A_11 = arith.cmpi eq, %iota3A_2, %eq3A_10 : vector<5x3072xi32>
    %jit3A_12 = arith.constant 0 : i32
    %broadcast_in_dim3A_13 = vector.broadcast %jit3A_12 : i32 to vector<5x3072xi32>
    %select_n3A_14 = arith.select %eq3A_11, %and3A_4, %broadcast_in_dim3A_13 : vector<5x3072xi1>, vector<5x3072xi32>
    %add3A_15 = arith.addi %select_n3A, %select_n3A_14 : vector<5x3072xi32>
    %eq3A_16 = arith.constant 3 : i32
    %eq3A_17 = vector.broadcast %eq3A_16 : i32 to vector<5x3072xi32>
    %eq3A_18 = arith.cmpi eq, %iota3A_2, %eq3A_17 : vector<5x3072xi32>
    %and3A_19 = arith.constant -128 : i32
    %and3A_20 = vector.broadcast %and3A_19 : i32 to vector<5x3072xi32>
    %and3A_21 = arith.andi %and3A_4, %and3A_20 : vector<5x3072xi32>
    %jit3A_22 = arith.constant 0 : i32
    %broadcast_in_dim3A_23 = vector.broadcast %jit3A_22 : i32 to vector<5x3072xi32>
    %select_n3A_24 = arith.select %eq3A_18, %and3A_21, %broadcast_in_dim3A_23 : vector<5x3072xi1>, vector<5x3072xi32>
    %add3A_25 = arith.addi %add3A_15, %select_n3A_24 : vector<5x3072xi32>
    %eq3A_26 = arith.constant 4 : i32
    %eq3A_27 = vector.broadcast %eq3A_26 : i32 to vector<5x3072xi32>
    %eq3A_28 = arith.cmpi eq, %iota3A_2, %eq3A_27 : vector<5x3072xi32>
    %add3A_29 = arith.constant 1 : i32
    %add3A_30 = vector.broadcast %add3A_29 : i32 to vector<5x3072xi32>
    %add3A_31 = arith.addi %and3A_4, %add3A_30 : vector<5x3072xi32>
    %jit3A_32 = arith.constant 0 : i32
    %broadcast_in_dim3A_33 = vector.broadcast %jit3A_32 : i32 to vector<5x3072xi32>
    %select_n3A_34 = arith.select %eq3A_28, %add3A_31, %broadcast_in_dim3A_33 : vector<5x3072xi1>, vector<5x3072xi32>
    %add3A_35 = arith.addi %add3A_25, %select_n3A_34 : vector<5x3072xi32>
    %swap3A = arith.constant 0 : index
    %swap3A_36 = arith.constant 0 : index
    %swap3A_37 = vector.load %arg2[%swap3A, %swap3A_36] : memref<5x3072xi32, #tpu.memory_space<vmem>>, vector<5x3072xi32>
    tpu.vector_store %arg2[%swap3A, %swap3A_36], %add3A_35 {strides = array<i32>} : memref<5x3072xi32, #tpu.memory_space<vmem>>, vector<5x3072xi32>,
    %mul3A_38 = arith.constant 256 : i32
    %mul3A_39 = arith.muli %arg0, %mul3A_38 : i32
    %iota3A_40 = tpu.iota {dimensions = array<i32: 1>} : vector<96x256xi32>
    %add3A_41 = vector.broadcast %mul3A_39 : i32 to vector<96x256xi32>
    %add3A_42 = arith.addi %add3A_41, %iota3A_40 : vector<96x256xi32>
    %get3A = arith.constant 0 : index
    %get3A_43 = arith.constant 0 : index
    %get3A_44 = vector.load %arg1[%get3A, %get3A_43] : memref<96x256xi32, #tpu.memory_space<vmem>>, vector<96x256xi32>
    %shift_right_arithmetic3A_45 = arith.constant 7 : i32
    %shift_right_arithmetic3A_46 = vector.broadcast %shift_right_arithmetic3A_45 : i32 to vector<96x256xi32>
    %shift_right_arithmetic3A_47 = arith.shrsi %add3A_42, %shift_right_arithmetic3A_46 : vector<96x256xi32>
    %lt3A = arith.cmpi slt, %get3A_44, %shift_right_arithmetic3A_47 : vector<96x256xi32>
    %convert_element_type3A = arith.extui %lt3A : vector<96x256xi1> to vector<96x256xi8>
    %swap3A_48 = arith.constant 0 : index
    %swap3A_49 = arith.constant 0 : index
    %swap3A_50 = vector.load %arg3[%swap3A_48, %swap3A_49] : memref<96x256xi8, #tpu.memory_space<vmem>>, vector<96x256xi8>
    tpu.vector_store %arg3[%swap3A_48, %swap3A_49], %convert_element_type3A {strides = array<i32>} : memref<96x256xi8, #tpu.memory_space<vmem>>, vector<96x256xi8>,
    return
  }
  func.func @transform_0(%arg0: i32) -> (i32, i32) {
    %c0_i32 = arith.constant 0 : i32
    %c0_i32_0 = arith.constant 0 : i32
    return %c0_i32, %arg0 : i32, i32
  }
  func.func @transform_1(%arg0: i32) -> (i32, i32) {
    %c0_i32 = arith.constant 0 : i32
    %c0_i32_0 = arith.constant 0 : i32
    return %c0_i32, %arg0 : i32, i32
  }
  func.func @transform_2(%arg0: i32) -> (i32, i32) {
    %c0_i32 = arith.constant 0 : i32
    %c0_i32_0 = arith.constant 0 : i32
    return %c0_i32, %arg0 : i32, i32
  }
}

</mosaic_0001>

<sc_bundles>
// kernel: kernel.4.cloned.1.call-start
scs
__scs_entry_jumppad:
0x0: {  	(pc) =	sbr.rel $0x88, $3  }
0x1: {  	(tag) =	ssettag $0x0;
	lr =	simm.s32 $0x1  }
0x2: {  	[smem:$0x3FA0] =	sst lr;
	_ =	strace $0xD0000000  }
0x3: {  	_ = 	snop  }
0x4: {  	_ = 	snop  }
0x5: {  	_ = 	snop  }
0x6: {  	_ = 	snop  }
0x7: {  	_ = 	snop  }
__scs_overlays_trampoline_lowered:
0x8: {  	[smem:$0x3FAF] =	sst s0  }
0x9: {  	[smem:$0x3FB0] =	sst s1  }
0xa: {  	[smem:$0x3FB1] =	sst s2  }
0xb: {  	[smem:$0x3FB2] =	sst s3  }
0xc: {  	[smem:$0x3FB3] =	sst s4  }
0xd: {  	[smem:$0x3FB4] =	sst s5  }
0xe: {  	[smem:$0x3FB5] =	sst s6  }
0xf: {  	[smem:$0x3FB6] =	sst s7  }
0x10: {  	[smem:$0x3FB7] =	sst s8  }
0x11: {  	[smem:$0x3FB8] =	sst s9;
	s0 =	simm.s32 @!p0 $0x0  }
0x12: {  	s1 =	sld [smem:$0x3F9E];
	s0 =	simm.s32 @p0 $0x1  }
0x13: {  	[smem:$0x3FB9] =	sst s0;
	s0 =	simm.s32 @!p1 $0x0  }
0x14: {  	s2 =	sld [smem:$0x3F9D];
	s0 =	simm.s32 @p1 $0x1  }
0x15: {  	[smem:$0x3FBA] =	sst s0;
	s0 =	simm.s32 @!p2 $0x0  }
0x16: {  	s3 =	sld [smem:$0x3FDB];
	s0 =	simm.s32 @p2 $0x1  }
0x17: {  	s4 =	simm.s32 $0x1BF5;
	[smem:$0x3FBC] =	sst s0  }
0x18: {  	s0 =	sld [smem:$0x3F9F];
	_ =	swait.ge [sflag:s4], $0x0  }
0x19: {  	s7 =	sld [smem:$0x3FA0]  }
0x1a: {  	s8 =	sadd.s32 $0xFFFFE003, lr  }
0x1b: {  	s9 =	sadd.s32 $0xFFFFFEF7, lr;
	s5 =	simm.s32 $0xFFFFFFFF;
	p2 =	slt.u32 s8, $0xFFFFF086  }
0x1c: {  	p1 =	slt.u32 s9, $0xF7A;
	s5 =	simm.s32 @!p2 $0x0  }
0x1d: {  	s5 =	simm.s32 @p1 $0x1;
	p0 =	seq.s32 s7, s2  }
0x1e: {  	s7 =	smul.u32 @!p0 $0xF7A, s2;
	p2 =	seq.s32 @!p0 s5, $0x0  }
0x1f: {  	s9 =	smul.u32 $0xF7A, s1;
	s8 =	simm.s32 @!p0 $0x1BF5;
	p2 =	por !p2, p0  }
0x20: {  	[sflag:s8] =	ssyncset.s32 @!p0 $0xFFFFF086;
	s6 =	sadd.s32 @!p0 s3, s7;
	s7 =	simm.s32 @!p0 $0x108  }
0x21: {  	s3 =	sadd.s32 s3, s9;
	s6 =	sadd.s32 @!p0 $0x88, s6;
	s7 =	simm.s32 @p2 $0x1082  }
0x22: {  	[simem:s7], [sflag:s8] =	dma.local @!p0 [hbm:s6], $0xF7A  }
0x23: {  	s9 =	sor.u32 $0xD0000000, s2;
	s6 =	simm.s32 $0x108;
	_ =	swait.ge @!p0 [sflag:s8], $0x0  }
0x24: {  	s3 =	sadd.s32 $0x88, s3;
	s6 =	simm.s32 @!p1 $0x1082;
	[sflag:s4] =	ssyncset.s32 $0xFFFFF086  }
0x25: {  	[simem:s6], [sflag:s4] =	dma.local [hbm:s3], $0xF7A  }
0x26: {  	[smem:$0x3FA0] =	sst s1;
	(tag) =	ssettag s2;
	_ =	strace s9  }
0x27: {  	s1 =	sld [smem:$0x3FB0]  }
0x28: {  	s2 =	sld [smem:$0x3FB1]  }
0x29: {  	s4 =	sld [smem:$0x3FB3]  }
0x2a: {  	p0 =	seq.s32 s5, $0x0;
	s5 =	sld [smem:$0x3FB4]  }
0x2b: {  	s6 =	sld [smem:$0x3FB5]  }
0x2c: {  	s7 =	sld [smem:$0x3FB6]  }
0x2d: {  	s3 =	simm.s32 $0x108;
	s8 =	sld [smem:$0x3FB7]  }
0x2e: {  	s3 =	simm.s32 @!p0 $0x1082;
	s9 =	sld [smem:$0x3FB8]  }
0x2f: {  	lr =	sadd.s32 s0, s3;
	s0 =	sld [smem:$0x3FAF]  }
0x30: {  	s3 =	sld [smem:$0x3FB2]  }
0x31: {  	[smem:$0x3FBB] =	sst s10  }
0x32: {  	s10 =	sld [smem:$0x3FB9];
	_ =	sdelay $0x3  }
0x33: {  	p0 =	seq.s32 s10, $0x1;
	s10 =	sld [smem:$0x3FBB];
	_ =	sdelay $0x3  }
0x34: {  	[smem:$0x3FBB] =	sst s10  }
0x35: {  	s10 =	sld [smem:$0x3FBA];
	_ =	sdelay $0x3  }
0x36: {  	p1 =	seq.s32 s10, $0x1;
	s10 =	sld [smem:$0x3FBB];
	_ =	sdelay $0x3  }
0x37: {  	[smem:$0x3FBB] =	sst s10  }
0x38: {  	s10 =	sld [smem:$0x3FBC]  }
0x39: {  	_ = 	snop;
	(pc) =	sbr.ind lr, $3  }
0x3a: {  	_ = 	snop  }
0x3b: {  	_ = 	snop  }
0x3c: {  	p2 =	seq.s32 s10, $0x1;
	s10 =	sld [smem:$0x3FBB]  }
0x3d: {  	_ =	shalt  }
0x3e: {  	_ =	shalt  }
0x3f: {  	_ =	shalt  }
0x40: {  	_ =	shalt  }
0x41: {  	_ =	shalt  }
0x42: {  	_ =	shalt  }
0x43: {  	_ =	shalt  }
0x44: {  	_ =	shalt  }
0x45: {  	_ =	shalt  }
0x46: {  	_ =	shalt  }
0x47: {  	_ =	shalt  }
0x48: {  	_ =	shalt  }
0x49: {  	_ =	shalt  }
0x4a: {  	_ =	shalt  }
0x4b: {  	_ =	shalt  }
0x4c: {  	_ =	shalt  }
0x4d: {  	_ =	shalt  }
0x4e: {  	_ =	shalt  }
0x4f: {  	_ =	shalt  }
0x50: {  	_ =	shalt  }
0x51: {  	_ =	shalt  }
0x52: {  	_ =	shalt  }
0x53: {  	_ =	shalt  }
0x54: {  	_ =	shalt  }
0x55: {  	_ =	shalt  }
0x56: {  	_ =	shalt  }
0x57: {  	_ =	shalt  }
0x58: {  	_ =	shalt  }
0x59: {  	_ =	shalt  }
0x5a: {  	_ =	shalt  }
0x5b: {  	_ =	shalt  }
0x5c: {  	_ =	shalt  }
0x5d: {  	_ =	shalt  }
0x5e: {  	_ =	shalt  }
0x5f: {  	_ =	shalt  }
0x60: {  	_ =	shalt  }
0x61: {  	_ =	shalt  }
0x62: {  	_ =	shalt  }
0x63: {  	_ =	shalt  }
0x64: {  	_ =	shalt  }
0x65: {  	_ =	shalt  }
0x66: {  	_ =	shalt  }
0x67: {  	_ =	shalt  }
0x68: {  	_ =	shalt  }
0x69: {  	_ =	shalt  }
0x6a: {  	_ =	shalt  }
0x6b: {  	_ =	shalt  }
0x6c: {  	_ =	shalt  }
0x6d: {  	_ =	shalt  }
0x6e: {  	_ =	shalt  }
0x6f: {  	_ =	shalt  }
0x70: {  	_ =	shalt  }
0x71: {  	_ =	shalt  }
0x72: {  	_ =	shalt  }
0x73: {  	_ =	shalt  }
0x74: {  	_ =	shalt  }
0x75: {  	_ =	shalt  }
0x76: {  	_ =	shalt  }
0x77: {  	_ =	shalt  }
0x78: {  	_ =	shalt  }
0x79: {  	_ =	shalt  }
0x7a: {  	_ =	shalt  }
0x7b: {  	_ =	shalt  }
0x7c: {  	_ =	shalt  }
0x7d: {  	_ =	shalt  }
0x7e: {  	_ =	shalt  }
0x7f: {  	_ =	shalt  }
0x80: {  	_ =	shalt  }
0x81: {  	_ =	shalt  }
0x82: {  	_ =	shalt  }
0x83: {  	_ =	shalt  }
0x84: {  	_ =	shalt  }
0x85: {  	_ =	shalt  }
0x86: {  	_ =	shalt  }
0x87: {  	_ =	shalt  }
.Lfunc_end0:
.L_simem_size_0:
called_computation_lowered:
.L_overlay_start_0:
0x88: {  	s2 =	sld [smem:$0x3FD9]  }
0x89: {  	s3 =	sld [smem:$0x3FFE];
	_ =	sdelay $0x1  }
0x8a: {  	s1 =	srdreg.scid  }
0x8b: {  	s0 =	sand.u32 $0x1, s1  }
0x8c: {  	s15 =	sshll.u32 s0, $0xA;
	s2 =	sadd.s32 s3, s2  }
0x8d: {  	s2 =	sadd.s32 s2, s15  }
0x8e: {  	[smem:$0x3FC7] =	sst s2  }
0x8f: {  	_ = 	snop  }
0x90: {  	s2 =	sld [smem:$0x3FD0];
	_ =	sdelay $0x2  }
0x91: {  	s4 =	simm.s32 $0xA;
	s5 =	simm.s32 $0x10;
	s16 =	sld [smem:$0x3FC9]  }
0x92: {  	[smem:s5], [sflag:s4] =	dma.local [hbm:s2], $0x1  }
0x93: {  	_ =	swait.eq [sflag:s4], $0x1  }
0x94: {  	[sflag:s4] =	ssyncset.done $0x0  }
0x95: {  	[sflag:s4] =	ssyncadd.s32 $0xFFFFFFFF  }
0x96: {  	s17 =	sld [smem:$0x11];
	(tm) =	ssettm $0x1  }
0x97: {  	s18 =	sld [smem:$0x3FFB];
	_ =	sdelay $0x3  }
0x98: {  	_ =	strace s18  }
0x99: {  	s4 =	sld [smem:$0x3FFC];
	_ =	sdelay $0x3  }
0x9a: {  	_ =	strace s4  }
0x9b: {  	s4 =	sld [smem:$0x3FFD];
	_ =	sdelay $0x3  }
0x9c: {  	_ =	strace s4  }
0x9d: {  	_ =	strace $0x8FFFFFFF  }
0x9e: {  	s19 =	sld [smem:$0x3FDB];
	_ =	sdelay $0x1  }
0x9f: {  	s20 =	simm.s32 $_scs_section_size  }
0xa0: {  	s6 =	simm.s32 $_size__tile_overlayer_lowered;
	s7 =	simm.s32 $_tile_overlayer_lowered  }
0xa1: {  	s23 =	simm.s32 $0x1BFF;
	s22 =	sshll.u32 s7, $0x1;
	s4 =	sadd.s32 s20, s19  }
0xa2: {  	s8 =	simm.s32 $0x0;
	s21 =	sshll.u32 s6, $0x1;
	s6 =	sadd.s32 s22, s4  }
0xa3: {  	[timem:s8], [sflag:s23] =	dma.local [hbm:s6], s21  }
0xa4: {  	_ =	swait.ge [sflag:s23], s21  }
0xa5: {  	s5 =	ssub.s32 $0x0, s21;
	[sflag:s23] =	ssyncset.done $0x0  }
0xa6: {  	[sflag:s23] =	ssyncadd.s32 s5;
	_ =	sdelay $0x1  }
0xa7: {  	s24 =	simm.s32 $0x1B8B  }
0xa8: {  	_ =	swait.ge [sflag:s24], $0x1  }
0xa9: {  	[sflag:s24] =	ssyncset.done $0x0  }
0xaa: {  	s25 =	simm.s32 $0x1B8E;
	[sflag:s24] =	ssyncadd.s32 $0xFFFFFFFF  }
0xab: {  	s26 =	simm.s32 $execute0_lowered;
	[smem:$0x3FD2] =	sst s25  }
0xac: {  	s5 =	sshll.u32 s26, $0x1;
	_ =	strace $0x80000046;
	[dreg:$0x1] =	wrdreg $0xFFFFFFFF  }
0xad: {  	s28 =	simm.s32 $_size_execute0_lowered;
	s4 =	sadd.s32 s4, s5;
	[dreg:$0x0] =	wrdreg $0x0  }
0xae: {  	s5 =	sshll.u32 s28, $0x1;
	[dreg:$0x2] =	wrdreg s4  }
0xaf: {  	[dreg:$0x3] =	wrdreg s5  }
0xb0: {  	[dreg:$0x4] =	wrdreg $0xC0  }
0xb1: {  	_ =	task [dreg:s8], $0x5FFFF  }
0xb2: {  	[dreg:$0x1] =	wrdreg $0xFFFFFFFF  }
0xb3: {  	[dreg:$0x0] =	wrdreg $0x60  }
0xb4: {  	[dreg:$0x2] =	wrdreg s16  }
0xb5: {  	[dreg:$0x3] =	wrdreg s17  }
0xb6: {  	[dreg:$0x4] =	wrdreg $0x9  }
0xb7: {  	_ =	task.clear_ibuf [dreg:s8], $0x5FFFF;
	_ =	strace $0x90000046  }
0xb8: {  	s29 =	simm.s32 $0x9;
	_ =	strace $0x80000048  }
0xb9: {  	_ =	swait.ge [sflag:s29], $0x1  }
0xba: {  	[sflag:s29] =	ssyncadd.s32 $0xFFFFFFFF  }
0xbb: {  	_ =	strace $0x90000048  }
0xbc: {  	_ =	sfence  }
0xbd: {  	s30 =	sld [smem:$0x0];
	_ =	sdelay $0x2  }
0xbe: {  	s31 =	sshll.u32 s1, $0xD;
	s1 =	sshrl.u32 s1, $0x2  }
0xbf: {  	s3 =	sand.u32 $0x4000, s31;
	s1 =	sadd.s32 s1, s30  }
0xc0: {  	s0 =	sor.u32 s3, s0;
	s1 =	sshll.u32 s1, $0x11  }
0xc1: {  	s0 =	sor.u32 s1, s0  }
0xc2: {  	s0 =	sadd.s32 $0x8F2B, s0  }
0xc3: {  	[sflag:s0] =	ssyncadd.remote.s32 $0x1  }
0xc4: {  	_ =	sfence.sel $0xFFFF  }
0xc5: {  	[dreg:$0x0] =	wrdreg $0xFFFFFFFF;
	(pc) =	sbr.abs _section_cstart, $3  }
0xc6: {  	[dreg:$0x1] =	wrdreg $0xFFFFFFFF  }
0xc7: {  	_ =	task.clear_ibuf [dreg:s8], $0x2FFFF;
	_ =	strace $0x9FFFFFFF  }
0xc8: {  	(tm) =	ssettm $0x7FFFFFFF  }
0xc9: {  	_ =	shalt  }
tec
execute0_lowered:
.L_overlay_start_1:
0x0: {  	(tag) =	ssettag $0x1  }
0x1: {  	s1 =	srdreg.scid;
	s0 =	stileid.u32  }
0x2: {  	s4 =	sand.u32 $0x1, s1;
	s30 =	sshll.u32 s0, $0x1  }
0x3: {  	s8 =	sor.u32 s4, s30  }
0x4: {  	s1 =	smul.u32 $0xF0, s8;
	_ =	sdelay $0x1  }
0x5: {  	s1 =	sadd.s32 $0xFFFFFF6F, s1  }
0x6: {  	s5 =	rddreg [dreg:$0x0];
	s2 =	smul.u32 $0x6667, s1  }
0x7: {  	s9 =	simm.s32 $0x2;
	s10 =	simm.s32 $0x0;
	s7 =	sshra.s32 s1, $0x1F  }
0x8: {  	s1 =	rddreg [dreg:$0x2];
	s3 =	sshrl.u32 s2, $0x1F;
	s6 =	sshra.s32 s2, $0x18  }
0x9: {  	s4 =	ssub.s32 $0x2, s4;
	s2 =	rddreg [dreg:$0x1];
	s6 =	sadd.s32 s3, s6  }
.Ltmp0:
0xa: {  	s3 =	simm.s32 $0x0;
	s6 =	sadd.s32 s6, s7;
	(pc) =	sbr.rel .LBB2_1-.Ltmp0, $4  }
0xb: {  	v0 =	vlaneseq.u32;
	s31 =	sshrl.u32 s4, $0x1;
	[smem:$0x7FF] =	sst s3;
	p0 =	sgt.s32 s6, $0x0  }
0xc: {  	v1 =	vimm.s32 $0x0;
	v2 =	vor.u32 $0x10, v0;
	s7 =	ssub.s32 s4, s31;
	s4 =	smul.u32 $0xF, s8;
	s6 =	simm.s32 @!p0 $0x0  }
0xd: {  	v3 =	vor.u32 $0x20, v0;
	v4 =	vor.u32 $0x30, v0;
	v5 =	vor.u32 $0x40, v0;
	_ =	strace $0x80000047;
	s7 =	smax.u32 s7, $0x1;
	s6 =	sshll.u32 s6, $0xB  }
0xe: {  	v6 =	vor.u32 $0x50, v0;
	v7 =	vor.u32 $0x60, v0;
	v8 =	vor.u32 $0x70, v0;
	s5 =	sadd.s32 s5, s6;
	s6 =	smul.u32 $0x7800, s8;
	s8 =	ssub.s32 $0x0, s8  }
.LBB2_22:
0xf: {  	p0 =	sne.s32 s12, $0x0  }
0x10: {  	s11 =	simm.s32 @!p0 $0x1  }
0x11: {  	_ =	swait.ge @!p0 [sflag:s11], $0x4000  }
0x12: {  	[sflag:s11] =	ssyncset.done @!p0 $0x0  }
0x13: {  	[sflag:s11] =	ssyncadd.s32 @!p0 $0xFFFFC000  }
0x14: {  	_ =	swait.ge [sflag:s9], $0x800  }
0x15: {  	[sflag:s9] =	ssyncset.done $0x0  }
0x16: {  	[sflag:s9] =	ssyncadd.s32 $0xFFFFF800  }
0x17: {  	_ =	swait.ge [sflag:s9], $0x800  }
0x18: {  	[sflag:s9] =	ssyncset.done $0x0  }
0x19: {  	[sflag:s9] =	ssyncadd.s32 $0xFFFFF800  }
0x1a: {  	_ =	swait.ge [sflag:s9], $0x800  }
0x1b: {  	[sflag:s9] =	ssyncset.done $0x0  }
0x1c: {  	[sflag:s9] =	ssyncadd.s32 $0xFFFFF800  }
0x1d: {  	_ =	swait.ge [sflag:s9], $0x800  }
0x1e: {  	[sflag:s9] =	ssyncset.done $0x0  }
0x1f: {  	[sflag:s9] =	ssyncadd.s32 $0xFFFFF800  }
0x20: {  	_ =	swait.ge [sflag:s9], $0x800  }
0x21: {  	[sflag:s9] =	ssyncset.done $0x0  }
0x22: {  	[sflag:s9] =	ssyncadd.s32 $0xFFFFF800  }
0x23: {  	_ =	swait.ge [sflag:s9], $0x800  }
0x24: {  	[sflag:s9] =	ssyncset.done $0x0  }
0x25: {  	[sflag:s9] =	ssyncadd.s32 $0xFFFFF800  }
0x26: {  	_ =	swait.ge [sflag:s9], $0x800  }
0x27: {  	[sflag:s9] =	ssyncset.done $0x0  }
0x28: {  	[sflag:s9] =	ssyncadd.s32 $0xFFFFF800  }
0x29: {  	_ =	swait.ge [sflag:s9], $0x800  }
0x2a: {  	[sflag:s9] =	ssyncset.done $0x0  }
0x2b: {  	[sflag:s9] =	ssyncadd.s32 $0xFFFFF800  }
0x2c: {  	_ =	swait.ge [sflag:s9], $0x800  }
0x2d: {  	[sflag:s9] =	ssyncset.done $0x0  }
0x2e: {  	[sflag:s9] =	ssyncadd.s32 $0xFFFFF800  }
0x2f: {  	_ =	swait.ge [sflag:s9], $0x800  }
0x30: {  	[sflag:s9] =	ssyncset.done $0x0  }
0x31: {  	[sflag:s9] =	ssyncadd.s32 $0xFFFFF800  }
0x32: {  	_ =	swait.ge [sflag:s9], $0x800  }
0x33: {  	[sflag:s9] =	ssyncset.done $0x0  }
0x34: {  	[sflag:s9] =	ssyncadd.s32 $0xFFFFF800  }
0x35: {  	_ =	swait.ge [sflag:s9], $0x800  }
0x36: {  	[sflag:s9] =	ssyncset.done $0x0  }
0x37: {  	[sflag:s9] =	ssyncadd.s32 $0xFFFFF800  }
0x38: {  	_ =	swait.ge [sflag:s9], $0x800  }
0x39: {  	[sflag:s9] =	ssyncset.done $0x0  }
0x3a: {  	s10 =	sadd.s32 $0x1, s10;
	[sflag:s9] =	ssyncadd.s32 $0xFFFFF800  }
0x3b: {  	p0 =	sne.s32 s10, s7;
	_ =	swait.ge [sflag:s9], $0x800  }
.Ltmp1:
0x3c: {  	[sflag:s9] =	ssyncset.done $0x0;
	(pc) =	sbr.rel @!p0 .LBB2_23-.Ltmp1, $4  }
0x3d: {  	[sflag:s9] =	ssyncadd.s32 $0xFFFFF800  }
0x3e: {  	_ =	swait.ge [sflag:s9], $0x800  }
0x3f: {  	[sflag:s9] =	ssyncset.done $0x0  }
0x40: {  	[sflag:s9] =	ssyncadd.s32 $0xFFFFF800  }
.LBB2_1:
.Ltmp2:
0x41: {  	(pc) =	sbr.rel .LBB2_2-.Ltmp2, $4  }
0x42: {  	_ = 	snop  }
0x43: {  	[tilespmem:s3], [sflag:$0x1] =	stream.linear.gather [hbm4b:s5+s3], $0x4000, $0x38;
	[tilespmem:$0xB800] =	vst v63  }
0x44: {  	s11 =	simm.s32 $0x4080  }
0x45: {  	s13 =	smov.u32 s8;
	s12 =	simm.s32 $0x0;
	s14 =	simm.s32 $0x0  }
.LBB2_21:
0x46: {  	s16 =	sshll.u32 s14, $0xB  }
0x47: {  	p0 =	sgt.u32 s15, $0x17;
	s15 =	simm.s32 $0x1;
	s14 =	sadd.s32 $0x1, s14  }
0x48: {  	s15 =	simm.s32 @!p0 $0x0;
	p0 =	sne.s32 s14, $0xF  }
.Ltmp3:
0x49: {  	_ = 	snop;
	(pc) =	sbr.rel @!p0 .LBB2_22-.Ltmp3, $4  }
0x4a: {  	s17 =	sadd.s32 s6, s16  }
0x4b: {  	s11 =	sadd.s32 $0x800, s11;
	s13 =	sadd.s32 $0x1, s13;
	s17 =	sshrl.u32 s17, $0x3  }
0x4c: {  	s16 =	sadd.s32 $0x4000, s16;
	s12 =	sor.u32 s15, s12;
	s17 =	sadd.s32 s2, s17  }
0x4d: {  	[hbm4b:s17+s3] =	stream.linear.scatter [tilespmem:s16], [sflag:$0x2], $0x800, $0x38;
	[tilespmem:$0xB800] =	vst v63  }
.LBB2_2:
0x4e: {  	s15 =	sadd.s32 s4, s14  }
0x4f: {  	s16 =	smulhi.u32 $0xCCCCCCCD, s15;
	_ =	sdelay $0x1  }
0x50: {  	s17 =	sshrl.u32 s16, $0x5  }
0x51: {  	s16 =	smul.u32 $0x28, s17;
	_ =	sdelay $0x1  }
0x52: {  	p0 =	sne.s32 s12, $0x0;
	s15 =	ssub.s32 s15, s16  }
0x53: {  	p1 =	slt.u32 @!p0 s15, $0x18;
	s18 =	sshrl.u32 s15, $0x3  }
0x54: {  	p0 =	por p1, p0;
	p1 =	sgt.s32 s18, $0x1  }
.Ltmp4:
0x55: {  	_ = 	snop;
	(pc) =	sbr.rel @!p1 .LBB2_3-.Ltmp4, $4  }
0x56: {  	s16 =	simm.s32 @!p0 $0x1  }
0x57: {  	_ =	swait.ge @!p0 [sflag:s16], $0x4000  }
0x58: {  	[sflag:s16] =	ssyncset.done @!p0 $0x0  }
0x59: {  	[sflag:s16] =	ssyncadd.s32 @!p0 $0xFFFFC000;
	s16 =	simm.s32 $0xFFFFFFFE  }
0x5a: {  	p0 =	seq.s32 s18, $0x2  }
.Ltmp5:
0x5b: {  	_ = 	snop;
	(pc) =	sbr.rel @p0 .LBB2_8-.Ltmp5, $1  }
0x5c: {  	_ =	sdelay $0x3  }
0x5d: {  	p0 =	seq.s32 s18, $0x3  }
.Ltmp6:
0x5e: {  	_ = 	snop;
	(pc) =	sbr.rel @!p0 .LBB2_18-.Ltmp6, $4  }
0x5f: {  	_ = 	snop  }
0x60: {  	s16 =	sand.u32 $0x7, s13  }
0x61: {  	s16 =	sshll.u32 s16, $0xB  }
0x62: {  	s20 =	sor.u32 $0x80, s16  }
0x63: {  	v9 =	vld [tilespmem:s20+$0x0];
	_ =	sdelay $0x4  }
0x64: {  	v9 =	vshll.u32 v9, $0x7  }
0x65: {  	[tilespmem:s11+$0x0] =	vst v9  }
0x66: {  	v9 =	vld [tilespmem:s20+$0x10];
	_ =	sdelay $0x3  }
0x67: {  	v10 =	vld [tilespmem:s20+$0xFFFFFF80]  }
0x68: {  	v9 =	vshll.u32 v9, $0x7  }
0x69: {  	[tilespmem:s11+$0x10] =	vst v9  }
0x6a: {  	s17 =	sadd.s32 $0x100, s20;
	v9 =	vld [tilespmem:s20+$0x20]  }
0x6b: {  	v11 =	vld [tilespmem:s17+$0x0]  }
0x6c: {  	v10 =	vshll.u32 v10, $0x7  }
0x6d: {  	[tilespmem:s11+$0xFFFFFF80] =	vst v10  }
0x6e: {  	v10 =	vld [tilespmem:s20+$0xFFFFFF90]  }
0x6f: {  	v9 =	vshll.u32 v9, $0x7  }
0x70: {  	s16 =	sadd.s32 $0x100, s11;
	[tilespmem:s11+$0x20] =	vst v9;
	v9 =	vshll.u32 v11, $0x7  }
0x71: {  	v11 =	vld [tilespmem:s20+$0x30];
	[tilespmem:s16+$0x0] =	vst v9  }
0x72: {  	v9 =	vld [tilespmem:s17+$0x10]  }
0x73: {  	v12 =	vld [tilespmem:s17+$0xFFFFFF80];
	v10 =	vshll.u32 v10, $0x7  }
0x74: {  	[tilespmem:s11+$0xFFFFFF90] =	vst v10  }
0x75: {  	v10 =	vld [tilespmem:s20+$0xFFFFFFA0]  }
0x76: {  	v11 =	vshll.u32 v11, $0x7  }
0x77: {  	[tilespmem:s11+$0x30] =	vst v11;
	v9 =	vshll.u32 v9, $0x7  }
0x78: {  	v12 =	vshll.u32 v12, $0x7;
	v11 =	vld [tilespmem:s20+$0x40];
	[tilespmem:s16+$0x10] =	vst v9  }
0x79: {  	[tilespmem:s16+$0xFFFFFF80] =	vst v12;
	v9 =	vld [tilespmem:s17+$0x20]  }
0x7a: {  	s18 =	sadd.s32 $0x100, s17;
	v12 =	vld [tilespmem:s17+$0xFFFFFF90];
	v10 =	vshll.u32 v10, $0x7  }
0x7b: {  	[tilespmem:s11+$0xFFFFFFA0] =	vst v10;
	v10 =	vld [tilespmem:s18+$0x0]  }
0x7c: {  	v13 =	vld [tilespmem:s20+$0xFFFFFFB0]  }
0x7d: {  	v11 =	vshll.u32 v11, $0x7  }
0x7e: {  	v14 =	vld [tilespmem:s18+$0xFFFFFF80];
	[tilespmem:s11+$0x40] =	vst v11;
	v9 =	vshll.u32 v9, $0x7  }
0x7f: {  	v12 =	vshll.u32 v12, $0x7;
	v11 =	vld [tilespmem:s20+$0x50];
	[tilespmem:s16+$0x20] =	vst v9  }
0x80: {  	s19 =	sadd.s32 $0x100, s16;
	[tilespmem:s16+$0xFFFFFF90] =	vst v12;
	v9 =	vshll.u32 v10, $0x7;
	v10 =	vld [tilespmem:s17+$0x30]  }
0x81: {  	v12 =	vshll.u32 v13, $0x7;
	v13 =	vld [tilespmem:s17+$0xFFFFFFA0];
	[tilespmem:s19+$0x0] =	vst v9  }
0x82: {  	[tilespmem:s11+$0xFFFFFFB0] =	vst v12;
	v9 =	vld [tilespmem:s18+$0x10]  }
0x83: {  	v14 =	vshll.u32 v14, $0x7;
	v12 =	vld [tilespmem:s20+$0xFFFFFFC0]  }
0x84: {  	[tilespmem:s19+$0xFFFFFF80] =	vst v14;
	v11 =	vshll.u32 v11, $0x7  }
0x85: {  	v14 =	vld [tilespmem:s18+$0xFFFFFF90];
	[tilespmem:s11+$0x50] =	vst v11;
	v10 =	vshll.u32 v10, $0x7  }
0x86: {  	v13 =	vshll.u32 v13, $0x7;
	v11 =	vld [tilespmem:s20+$0x60];
	[tilespmem:s16+$0x30] =	vst v10  }
0x87: {  	[tilespmem:s16+$0xFFFFFFA0] =	vst v13;
	v9 =	vshll.u32 v9, $0x7;
	v10 =	vld [tilespmem:s17+$0x40]  }
0x88: {  	v13 =	vld [tilespmem:s17+$0xFFFFFFB0];
	v12 =	vshll.u32 v12, $0x7;
	[tilespmem:s19+$0x10] =	vst v9  }
0x89: {  	[tilespmem:s11+$0xFFFFFFC0] =	vst v12;
	v9 =	vld [tilespmem:s18+$0x20]  }
0x8a: {  	s21 =	sadd.s32 $0x100, s18;
	v14 =	vshll.u32 v14, $0x7;
	v12 =	vld [tilespmem:s20+$0xFFFFFFD0]  }
0x8b: {  	v15 =	vld [tilespmem:s21+$0x0];
	[tilespmem:s19+$0xFFFFFF90] =	vst v14;
	v11 =	vshll.u32 v11, $0x7  }
0x8c: {  	v14 =	vld [tilespmem:s21+$0xFFFFFF80];
	[tilespmem:s11+$0x60] =	vst v11;
	v10 =	vshll.u32 v10, $0x7  }
0x8d: {  	v13 =	vshll.u32 v13, $0x7;
	v11 =	vld [tilespmem:s20+$0x70];
	[tilespmem:s16+$0x40] =	vst v10  }
0x8e: {  	[tilespmem:s16+$0xFFFFFFB0] =	vst v13;
	v9 =	vshll.u32 v9, $0x7;
	v10 =	vld [tilespmem:s17+$0x50]  }
0x8f: {  	v13 =	vld [tilespmem:s18+$0xFFFFFFA0];
	v12 =	vshll.u32 v12, $0x7;
	[tilespmem:s19+$0x20] =	vst v9  }
0x90: {  	s23 =	sadd.s32 $0x100, s19;
	[tilespmem:s11+$0xFFFFFFD0] =	vst v12;
	v9 =	vshll.u32 v15, $0x7;
	v12 =	vld [tilespmem:s18+$0x30]  }
0x91: {  	v14 =	vshll.u32 v14, $0x7;
	[tilespmem:s23+$0x0] =	vst v9;
	v9 =	vld [tilespmem:s17+$0xFFFFFFC0]  }
0x92: {  	[tilespmem:s23+$0xFFFFFF80] =	vst v14;
	v15 =	vld [tilespmem:s21+$0x10];
	v11 =	vshll.u32 v11, $0x7  }
0x93: {  	v14 =	vld [tilespmem:s20+$0xFFFFFFE0];
	[tilespmem:s11+$0x70] =	vst v11;
	v10 =	vshll.u32 v10, $0x7  }
0x94: {  	v16 =	vld [tilespmem:s21+$0xFFFFFF90];
	v11 =	vshll.u32 v13, $0x7;
	[tilespmem:s16+$0x50] =	vst v10  }
0x95: {  	[tilespmem:s19+$0xFFFFFFA0] =	vst v11;
	v10 =	vshll.u32 v12, $0x7;
	v12 =	vld [tilespmem:s17+$0x60]  }
0x96: {  	v9 =	vshll.u32 v9, $0x7;
	v13 =	vld [tilespmem:s18+$0xFFFFFFB0];
	[tilespmem:s19+$0x30] =	vst v10  }
0x97: {  	v10 =	vshll.u32 v15, $0x7;
	[tilespmem:s16+$0xFFFFFFC0] =	vst v9;
	v11 =	vld [tilespmem:s18+$0x40]  }
0x98: {  	v9 =	vshll.u32 v14, $0x7;
	[tilespmem:s23+$0x10] =	vst v10;
	v10 =	vld [tilespmem:s17+$0xFFFFFFD0]  }
0x99: {  	s24 =	simm.s32 $0x6;
	v15 =	vshll.u32 v16, $0x7;
	[tilespmem:s11+$0xFFFFFFE0] =	vst v9;
	v14 =	vld [tilespmem:s21+$0x20]  }
0x9a: {  	s22 =	smov.u32 s11;
	s25 =	sadd.s32 $0x100, s21;
	[tilespmem:s23+$0xFFFFFF90] =	vst v15;
	v9 =	vld [tilespmem:s20+$0xFFFFFFF0];
	s20 =	smov.u32 s23;
	v12 =	vshll.u32 v12, $0x7  }
.LBB2_15:
0x9b: {  	v15 =	vld [tilespmem:s25+$0x0];
	s24 =	sadd.s32 $0x2, s24;
	v13 =	vshll.u32 v13, $0x7;
	[tilespmem:s16+$0x60] =	vst v12;
	s26 =	smov.u32 s21;
	s21 =	smov.u32 s25  }
0x9c: {  	p0 =	slt.u32 s24, $0xE;
	[tilespmem:s19+$0xFFFFFFB0] =	vst v13;
	v11 =	vshll.u32 v11, $0x7;
	v12 =	vld [tilespmem:s17+$0x70]  }
0x9d: {  	v13 =	vld [tilespmem:s25+$0xFFFFFF80];
	[tilespmem:s19+$0x40] =	vst v11;
	v10 =	vshll.u32 v10, $0x7  }
0x9e: {  	v11 =	vshll.u32 v14, $0x7;
	v14 =	vld [tilespmem:s18+$0x50];
	[tilespmem:s16+$0xFFFFFFD0] =	vst v10  }
0x9f: {  	v10 =	vld [tilespmem:s26+$0xFFFFFFA0];
	[tilespmem:s23+$0x20] =	vst v11;
	v9 =	vshll.u32 v9, $0x7  }
0xa0: {  	s23 =	sadd.s32 $0x100, s23;
	v11 =	vshll.u32 v15, $0x7;
	v15 =	vld [tilespmem:s26+$0x30];
	[tilespmem:s22+$0xFFFFFFF0] =	vst v9;
	s22 =	smov.u32 s16;
	s16 =	smov.u32 s19  }
0xa1: {  	s19 =	smov.u32 s20;
	s20 =	smov.u32 s23;
	[tilespmem:s23+$0x0] =	vst v11;
	v9 =	vld [tilespmem:s18+$0xFFFFFFC0];
	v11 =	vshll.u32 v12, $0x7  }
0xa2: {  	v12 =	vshll.u32 v13, $0x7;
	v16 =	vld [tilespmem:s25+$0x10];
	[tilespmem:s22+$0x70] =	vst v11  }
0xa3: {  	[tilespmem:s23+$0xFFFFFF80] =	vst v12;
	v11 =	vshll.u32 v14, $0x7;
	v12 =	vld [tilespmem:s17+$0xFFFFFFE0]  }
0xa4: {  	v14 =	vld [tilespmem:s25+$0xFFFFFF90];
	v10 =	vshll.u32 v10, $0x7;
	[tilespmem:s16+$0x50] =	vst v11  }
0xa5: {  	[tilespmem:s19+$0xFFFFFFA0] =	vst v10;
	v10 =	vshll.u32 v15, $0x7;
	v15 =	vld [tilespmem:s18+$0x60]  }
.Ltmp7:
0xa6: {  	v13 =	vld [tilespmem:s26+$0xFFFFFFB0];
	[tilespmem:s19+$0x30] =	vst v10;
	v9 =	vshll.u32 v9, $0x7;
	(pc) =	sbr.rel @p0 .LBB2_15-.Ltmp7, $4  }
0xa7: {  	v10 =	vshll.u32 v16, $0x7;
	v11 =	vld [tilespmem:s26+$0x40];
	[tilespmem:s16+$0xFFFFFFC0] =	vst v9  }
0xa8: {  	[tilespmem:s23+$0x10] =	vst v10;
	v10 =	vld [tilespmem:s18+$0xFFFFFFD0];
	v9 =	vshll.u32 v12, $0x7  }
0xa9: {  	v12 =	vshll.u32 v14, $0x7;
	v14 =	vld [tilespmem:s25+$0x20];
	[tilespmem:s22+$0xFFFFFFE0] =	vst v9  }
0xaa: {  	s25 =	sadd.s32 $0x100, s25;
	[tilespmem:s23+$0xFFFFFF90] =	vst v12;
	v12 =	vshll.u32 v15, $0x7;
	v9 =	vld [tilespmem:s17+$0xFFFFFFF0];
	s17 =	smov.u32 s18;
	s18 =	smov.u32 s26  }
0xab: {  	v15 =	vld [tilespmem:s21+$0xFFFFFFA0];
	_ =	sdelay $0x3  }
0xac: {  	v14 =	vshll.u32 v14, $0x7  }
0xad: {  	[tilespmem:s23+$0x20] =	vst v14;
	v47 =	vshll.u32 v15, $0x7  }
0xae: {  	v48 =	vld [tilespmem:s21+$0x30];
	[tilespmem:s20+$0xFFFFFFA0] =	vst v47  }
0xaf: {  	v14 =	vld [tilespmem:s21+$0xFFFFFFB0];
	_ =	sdelay $0x2  }
0xb0: {  	v13 =	vshll.u32 v13, $0x7  }
0xb1: {  	[tilespmem:s19+$0xFFFFFFB0] =	vst v13;
	v49 =	vshll.u32 v48, $0x7  }
0xb2: {  	v50 =	vld [tilespmem:s18+$0xFFFFFFC0];
	[tilespmem:s20+$0x30] =	vst v49;
	v51 =	vshll.u32 v14, $0x7  }
0xb3: {  	v52 =	vld [tilespmem:s21+$0x40];
	[tilespmem:s20+$0xFFFFFFB0] =	vst v51  }
0xb4: {  	v13 =	vld [tilespmem:s21+$0xFFFFFFC0];
	_ =	sdelay $0x1  }
0xb5: {  	v11 =	vshll.u32 v11, $0x7  }
0xb6: {  	[tilespmem:s19+$0x40] =	vst v11;
	v11 =	vshll.u32 v50, $0x7  }
0xb7: {  	v53 =	vld [tilespmem:s18+$0x50];
	[tilespmem:s19+$0xFFFFFFC0] =	vst v11;
	v11 =	vshll.u32 v52, $0x7  }
0xb8: {  	v54 =	vld [tilespmem:s18+$0xFFFFFFD0];
	[tilespmem:s20+$0x40] =	vst v11;
	v11 =	vshll.u32 v13, $0x7  }
0xb9: {  	v55 =	vld [tilespmem:s21+$0x50];
	[tilespmem:s20+$0xFFFFFFC0] =	vst v11  }
0xba: {  	v11 =	vld [tilespmem:s21+$0xFFFFFFD0]  }
0xbb: {  	v10 =	vshll.u32 v10, $0x7  }
0xbc: {  	[tilespmem:s16+$0xFFFFFFD0] =	vst v10;
	v10 =	vshll.u32 v53, $0x7  }
0xbd: {  	v56 =	vld [tilespmem:s17+$0xFFFFFFE0];
	[tilespmem:s19+$0x50] =	vst v10;
	v10 =	vshll.u32 v54, $0x7  }
0xbe: {  	v57 =	vld [tilespmem:s18+$0x60];
	[tilespmem:s19+$0xFFFFFFD0] =	vst v10;
	v10 =	vshll.u32 v55, $0x7  }
0xbf: {  	v58 =	vld [tilespmem:s18+$0xFFFFFFE0];
	[tilespmem:s20+$0x50] =	vst v10;
	v10 =	vshll.u32 v11, $0x7  }
0xc0: {  	v11 =	vld [tilespmem:s21+$0x60];
	[tilespmem:s20+$0xFFFFFFD0] =	vst v10  }
0xc1: {  	v10 =	vld [tilespmem:s21+$0xFFFFFFE0]  }
0xc2: {  	[tilespmem:s16+$0x60] =	vst v12;
	v59 =	vshll.u32 v56, $0x7  }
0xc3: {  	v60 =	vld [tilespmem:s17+$0x70];
	[tilespmem:s16+$0xFFFFFFE0] =	vst v59;
	v14 =	vshll.u32 v57, $0x7  }
0xc4: {  	v61 =	vld [tilespmem:s17+$0xFFFFFFF0];
	[tilespmem:s19+$0x60] =	vst v14;
	v13 =	vshll.u32 v58, $0x7  }
0xc5: {  	v62 =	vld [tilespmem:s18+$0x70];
	[tilespmem:s19+$0xFFFFFFE0] =	vst v13;
	v11 =	vshll.u32 v11, $0x7  }
0xc6: {  	[tilespmem:s20+$0x60] =	vst v11;
	v11 =	vld [tilespmem:s18+$0xFFFFFFF0];
	v10 =	vshll.u32 v10, $0x7  }
0xc7: {  	v9 =	vshll.u32 v9, $0x7;
	[tilespmem:s20+$0xFFFFFFE0] =	vst v10;
	v10 =	vld [tilespmem:s21+$0x70]  }
0xc8: {  	[tilespmem:s22+$0xFFFFFFF0] =	vst v9;
	v9 =	vshll.u32 v60, $0x7;
	v63 =	vld [tilespmem:s21+$0xFFFFFFF0]  }
0xc9: {  	[tilespmem:s16+$0x70] =	vst v9;
	v9 =	vshll.u32 v61, $0x7  }
.Ltmp8:
0xca: {  	[tilespmem:s16+$0xFFFFFFF0] =	vst v9;
	v9 =	vshll.u32 v62, $0x7;
	(pc) =	sbr.rel .LBB2_21-.Ltmp8, $4  }
0xcb: {  	[tilespmem:s19+$0x70] =	vst v9;
	v9 =	vshll.u32 v11, $0x7  }
0xcc: {  	[tilespmem:s19+$0xFFFFFFF0] =	vst v9;
	v9 =	vshll.u32 v10, $0x7  }
0xcd: {  	[tilespmem:s20+$0x70] =	vst v9;
	v9 =	vshll.u32 v63, $0x7  }
0xce: {  	[tilespmem:s20+$0xFFFFFFF0] =	vst v9  }
.LBB2_3:
0xcf: {  	p0 =	seq.s32 s18, $0x0  }
.Ltmp9:
0xd0: {  	_ = 	snop;
	(pc) =	sbr.rel @!p0 .LBB2_4-.Ltmp9, $1  }
0xd1: {  	_ =	sdelay $0x3  }
0xd2: {  	[tilespmem:s11+$0xFFFFFF80] =	vst v1  }
0xd3: {  	[tilespmem:s11+$0x70] =	vst v1  }
0xd4: {  	[tilespmem:s11+$0x60] =	vst v1  }
0xd5: {  	[tilespmem:s11+$0x50] =	vst v1  }
0xd6: {  	[tilespmem:s11+$0x40] =	vst v1  }
0xd7: {  	[tilespmem:s11+$0x30] =	vst v1  }
0xd8: {  	[tilespmem:s11+$0x20] =	vst v1  }
0xd9: {  	[tilespmem:s11+$0x10] =	vst v1  }
0xda: {  	[tilespmem:s11+$0x0] =	vst v1  }
0xdb: {  	[tilespmem:s11+$0xFFFFFFF0] =	vst v1  }
0xdc: {  	[tilespmem:s11+$0xFFFFFFE0] =	vst v1  }
0xdd: {  	[tilespmem:s11+$0xFFFFFFD0] =	vst v1  }
0xde: {  	[tilespmem:s11+$0xFFFFFFC0] =	vst v1  }
0xdf: {  	[tilespmem:s11+$0xFFFFFFB0] =	vst v1  }
0xe0: {  	s16 =	sadd.s32 $0x2, s16;
	[tilespmem:s11+$0xFFFFFFA0] =	vst v1;
	s17 =	smov.u32 s11  }
.LBB2_12:
0xe1: {  	s16 =	sadd.s32 $0x2, s16;
	[tilespmem:s17+$0xFFFFFF90] =	vst v1;
	s17 =	sadd.s32 $0x100, s17  }
0xe2: {  	[tilespmem:s17+$0xFFFFFF80] =	vst v1;
	p0 =	slt.u32 s16, $0xE  }
0xe3: {  	[tilespmem:s17+$0x70] =	vst v1  }
0xe4: {  	[tilespmem:s17+$0x60] =	vst v1  }
0xe5: {  	[tilespmem:s17+$0x50] =	vst v1  }
0xe6: {  	[tilespmem:s17+$0x40] =	vst v1  }
0xe7: {  	[tilespmem:s17+$0x30] =	vst v1  }
0xe8: {  	[tilespmem:s17+$0x20] =	vst v1  }
0xe9: {  	[tilespmem:s17+$0x10] =	vst v1  }
0xea: {  	[tilespmem:s17+$0x0] =	vst v1  }
0xeb: {  	[tilespmem:s17+$0xFFFFFFF0] =	vst v1  }
.Ltmp10:
0xec: {  	[tilespmem:s17+$0xFFFFFFE0] =	vst v1;
	(pc) =	sbr.rel @p0 .LBB2_12-.Ltmp10, $4  }
0xed: {  	[tilespmem:s17+$0xFFFFFFD0] =	vst v1  }
0xee: {  	[tilespmem:s17+$0xFFFFFFC0] =	vst v1  }
0xef: {  	[tilespmem:s17+$0xFFFFFFB0] =	vst v1  }
0xf0: {  	[tilespmem:s17+$0xFFFFFFA0] =	vst v1  }
.Ltmp11:
0xf1: {  	(pc) =	sbr.rel .LBB2_21-.Ltmp11, $2  }
0xf2: {  	_ =	sdelay $0x2  }
0xf3: {  	[tilespmem:s17+$0xFFFFFF90] =	vst v1  }
.LBB2_8:
0xf4: {  	s16 =	sand.u32 $0x7, s15;
	s17 =	simm.s32 $0x0  }
0xf5: {  	s16 =	sshll.u32 s16, $0x8;
	s17 =	sand.u32 $0x80, s17  }
0xf6: {  	s17 =	sor.u32 s16, s17  }
0xf7: {  	v12 =	vor.u32 s17, v8  }
0xf8: {  	v13 =	vor.u32 s17, v0;
	[tilespmem:s11+$0x70] =	vst v12  }
0xf9: {  	v14 =	vor.u32 s17, v2;
	[tilespmem:s11+$0xFFFFFF80] =	vst v13  }
0xfa: {  	v15 =	vor.u32 s17, v3;
	[tilespmem:s11+$0xFFFFFF90] =	vst v14  }
0xfb: {  	v16 =	vor.u32 s17, v4;
	[tilespmem:s11+$0xFFFFFFA0] =	vst v15  }
0xfc: {  	v10 =	vor.u32 s17, v5;
	[tilespmem:s11+$0xFFFFFFB0] =	vst v16  }
0xfd: {  	v11 =	vor.u32 s17, v6;
	[tilespmem:s11+$0xFFFFFFC0] =	vst v10  }
0xfe: {  	v9 =	vor.u32 s17, v7;
	[tilespmem:s11+$0xFFFFFFD0] =	vst v11  }
0xff: {  	[tilespmem:s11+$0xFFFFFFE0] =	vst v9  }
0x100: {  	[tilespmem:s11+$0xFFFFFFF0] =	vst v12  }
0x101: {  	[tilespmem:s11+$0x0] =	vst v13  }
0x102: {  	[tilespmem:s11+$0x10] =	vst v14  }
0x103: {  	[tilespmem:s11+$0x20] =	vst v15  }
0x104: {  	s18 =	simm.s32 $0x0;
	s19 =	simm.s32 $0x20;
	s17 =	smov.u32 s11;
	[tilespmem:s11+$0x30] =	vst v16  }
.LBB2_9:
0x105: {  	s20 =	sand.u32 $0x80, s19;
	s18 =	sadd.s32 $0x2, s18;
	[tilespmem:s17+$0x40] =	vst v10  }
0x106: {  	s20 =	sor.u32 s16, s20;
	p0 =	slt.u32 s18, $0xE;
	[tilespmem:s17+$0x50] =	vst v11  }
0x107: {  	v12 =	vor.u32 s20, v0;
	v13 =	vor.u32 s20, v2;
	v14 =	vor.u32 s20, v8;
	[tilespmem:s17+$0x60] =	vst v9;
	s17 =	sadd.s32 $0x100, s17  }
0x108: {  	v15 =	vor.u32 s20, v3;
	v16 =	vor.u32 s20, v4;
	v10 =	vor.u32 s20, v5;
	[tilespmem:s17+$0x70] =	vst v14  }
0x109: {  	v11 =	vor.u32 s20, v6;
	v9 =	vor.u32 s20, v7;
	[tilespmem:s17+$0xFFFFFF80] =	vst v12  }
0x10a: {  	[tilespmem:s17+$0xFFFFFF90] =	vst v13  }
0x10b: {  	[tilespmem:s17+$0xFFFFFFA0] =	vst v15  }
0x10c: {  	[tilespmem:s17+$0xFFFFFFB0] =	vst v16  }
0x10d: {  	[tilespmem:s17+$0xFFFFFFC0] =	vst v10  }
0x10e: {  	[tilespmem:s17+$0xFFFFFFD0] =	vst v11  }
0x10f: {  	[tilespmem:s17+$0xFFFFFFE0] =	vst v9  }
.Ltmp12:
0x110: {  	[tilespmem:s17+$0xFFFFFFF0] =	vst v14;
	(pc) =	sbr.rel @p0 .LBB2_9-.Ltmp12, $4  }
0x111: {  	[tilespmem:s17+$0x0] =	vst v12  }
0x112: {  	[tilespmem:s17+$0x10] =	vst v13  }
0x113: {  	[tilespmem:s17+$0x20] =	vst v15  }
0x114: {  	s19 =	sadd.s32 $0x20, s19;
	[tilespmem:s17+$0x30] =	vst v16  }
.Ltmp13:
0x115: {  	(pc) =	sbr.rel .LBB2_21-.Ltmp13, $4  }
0x116: {  	_ = 	snop  }
0x117: {  	[tilespmem:s17+$0x40] =	vst v10  }
0x118: {  	[tilespmem:s17+$0x50] =	vst v11  }
0x119: {  	[tilespmem:s17+$0x60] =	vst v9  }
.LBB2_18:
0x11a: {  	v9 =	vld [tilespmem:s20+$0x0];
	_ =	sdelay $0x3  }
0x11b: {  	v10 =	vld [tilespmem:s20+$0xFFFFFF80]  }
0x11c: {  	v9 =	vshll.u32 v9, $0x7  }
0x11d: {  	v9 =	vadd.s32 $0x80, v9  }
0x11e: {  	[tilespmem:s11+$0x0] =	vst v9  }
0x11f: {  	v9 =	vld [tilespmem:s20+$0x10]  }
0x120: {  	v10 =	vshll.u32 v10, $0x7  }
0x121: {  	v10 =	vadd.s32 $0x80, v10  }
0x122: {  	[tilespmem:s11+$0xFFFFFF80] =	vst v10  }
0x123: {  	v10 =	vld [tilespmem:s20+$0xFFFFFF90]  }
0x124: {  	v9 =	vshll.u32 v9, $0x7  }
0x125: {  	s17 =	sadd.s32 $0x100, s20;
	v9 =	vadd.s32 $0x80, v9  }
0x126: {  	[tilespmem:s11+$0x10] =	vst v9;
	v9 =	vld [tilespmem:s17+$0x0]  }
0x127: {  	v11 =	vld [tilespmem:s20+$0x20]  }
0x128: {  	v10 =	vshll.u32 v10, $0x7  }
0x129: {  	v10 =	vadd.s32 $0x80, v10  }
0x12a: {  	[tilespmem:s11+$0xFFFFFF90] =	vst v10;
	v10 =	vld [tilespmem:s17+$0xFFFFFF80]  }
0x12b: {  	v12 =	vld [tilespmem:s20+$0xFFFFFFA0];
	v9 =	vshll.u32 v9, $0x7  }
0x12c: {  	s16 =	sadd.s32 $0x100, s11;
	v9 =	vadd.s32 $0x80, v9;
	v11 =	vshll.u32 v11, $0x7  }
0x12d: {  	[tilespmem:s16+$0x0] =	vst v9;
	v9 =	vadd.s32 $0x80, v11  }
0x12e: {  	v11 =	vld [tilespmem:s17+$0x10];
	[tilespmem:s11+$0x20] =	vst v9  }
0x12f: {  	v9 =	vshll.u32 v10, $0x7;
	v10 =	vld [tilespmem:s20+$0x30]  }
0x130: {  	v12 =	vshll.u32 v12, $0x7;
	v9 =	vadd.s32 $0x80, v9  }
0x131: {  	[tilespmem:s16+$0xFFFFFF80] =	vst v9;
	v9 =	vadd.s32 $0x80, v12  }
0x132: {  	v12 =	vld [tilespmem:s17+$0xFFFFFF90];
	[tilespmem:s11+$0xFFFFFFA0] =	vst v9  }
0x133: {  	v9 =	vshll.u32 v11, $0x7;
	v11 =	vld [tilespmem:s20+$0xFFFFFFB0]  }
0x134: {  	s18 =	sadd.s32 $0x100, s17;
	v9 =	vadd.s32 $0x80, v9;
	v10 =	vshll.u32 v10, $0x7  }
0x135: {  	[tilespmem:s16+$0x10] =	vst v9;
	v9 =	vadd.s32 $0x80, v10;
	v10 =	vld [tilespmem:s18+$0x0]  }
0x136: {  	[tilespmem:s11+$0x30] =	vst v9;
	v9 =	vld [tilespmem:s17+$0x20]  }
0x137: {  	v12 =	vshll.u32 v12, $0x7;
	v13 =	vld [tilespmem:s20+$0x40]  }
0x138: {  	v12 =	vadd.s32 $0x80, v12;
	v11 =	vshll.u32 v11, $0x7  }
0x139: {  	[tilespmem:s16+$0xFFFFFF90] =	vst v12;
	v12 =	vld [tilespmem:s18+$0xFFFFFF80];
	v11 =	vadd.s32 $0x80, v11  }
0x13a: {  	[tilespmem:s11+$0xFFFFFFB0] =	vst v11;
	v10 =	vshll.u32 v10, $0x7;
	v11 =	vld [tilespmem:s17+$0xFFFFFFA0]  }
0x13b: {  	s19 =	sadd.s32 $0x100, s16;
	v10 =	vadd.s32 $0x80, v10;
	v9 =	vshll.u32 v9, $0x7;
	v14 =	vld [tilespmem:s20+$0xFFFFFFC0]  }
0x13c: {  	[tilespmem:s19+$0x0] =	vst v10;
	v9 =	vadd.s32 $0x80, v9;
	v10 =	vshll.u32 v13, $0x7  }
0x13d: {  	v13 =	vld [tilespmem:s18+$0x10];
	[tilespmem:s16+$0x20] =	vst v9;
	v9 =	vadd.s32 $0x80, v10  }
0x13e: {  	v10 =	vshll.u32 v12, $0x7;
	v12 =	vld [tilespmem:s17+$0x30];
	[tilespmem:s11+$0x40] =	vst v9  }
0x13f: {  	v9 =	vadd.s32 $0x80, v10;
	v10 =	vshll.u32 v11, $0x7;
	v11 =	vld [tilespmem:s20+$0x50]  }
0x140: {  	[tilespmem:s19+$0xFFFFFF80] =	vst v9;
	v9 =	vadd.s32 $0x80, v10;
	v10 =	vshll.u32 v14, $0x7  }
0x141: {  	v14 =	vld [tilespmem:s18+$0xFFFFFF90];
	[tilespmem:s16+$0xFFFFFFA0] =	vst v9;
	v9 =	vadd.s32 $0x80, v10  }
0x142: {  	v10 =	vshll.u32 v13, $0x7;
	v13 =	vld [tilespmem:s17+$0xFFFFFFB0];
	[tilespmem:s11+$0xFFFFFFC0] =	vst v9  }
0x143: {  	s21 =	sadd.s32 $0x100, s18;
	v9 =	vadd.s32 $0x80, v10;
	v10 =	vshll.u32 v12, $0x7;
	v12 =	vld [tilespmem:s20+$0xFFFFFFD0]  }
0x144: {  	[tilespmem:s19+$0x10] =	vst v9;
	v9 =	vadd.s32 $0x80, v10;
	v10 =	vshll.u32 v11, $0x7;
	v11 =	vld [tilespmem:s21+$0x0]  }
0x145: {  	[tilespmem:s16+$0x30] =	vst v9;
	v9 =	vadd.s32 $0x80, v10;
	v10 =	vld [tilespmem:s18+$0x20]  }
0x146: {  	v14 =	vshll.u32 v14, $0x7;
	[tilespmem:s11+$0x50] =	vst v9;
	v9 =	vld [tilespmem:s17+$0x40]  }
0x147: {  	v14 =	vadd.s32 $0x80, v14;
	v13 =	vshll.u32 v13, $0x7;
	v15 =	vld [tilespmem:s20+$0x60]  }
0x148: {  	[tilespmem:s19+$0xFFFFFF90] =	vst v14;
	v14 =	vld [tilespmem:s21+$0xFFFFFF80];
	v13 =	vadd.s32 $0x80, v13;
	v12 =	vshll.u32 v12, $0x7  }
0x149: {  	[tilespmem:s16+$0xFFFFFFB0] =	vst v13;
	v12 =	vadd.s32 $0x80, v12;
	v11 =	vshll.u32 v11, $0x7;
	v13 =	vld [tilespmem:s18+$0xFFFFFFA0]  }
0x14a: {  	s23 =	sadd.s32 $0x100, s19;
	[tilespmem:s11+$0xFFFFFFD0] =	vst v12;
	v11 =	vadd.s32 $0x80, v11;
	v10 =	vshll.u32 v10, $0x7;
	v12 =	vld [tilespmem:s17+$0xFFFFFFC0]  }
0x14b: {  	[tilespmem:s23+$0x0] =	vst v11;
	v10 =	vadd.s32 $0x80, v10;
	v9 =	vshll.u32 v9, $0x7;
	v11 =	vld [tilespmem:s20+$0xFFFFFFE0]  }
0x14c: {  	v16 =	vld [tilespmem:s21+$0x10];
	[tilespmem:s19+$0x20] =	vst v10;
	v9 =	vadd.s32 $0x80, v9;
	v10 =	vshll.u32 v15, $0x7  }
0x14d: {  	v14 =	vshll.u32 v14, $0x7;
	v15 =	vld [tilespmem:s18+$0x30];
	[tilespmem:s16+$0x40] =	vst v9;
	v9 =	vadd.s32 $0x80, v10  }
0x14e: {  	v10 =	vadd.s32 $0x80, v14;
	v13 =	vshll.u32 v13, $0x7;
	v17 =	vld [tilespmem:s17+$0x50];
	[tilespmem:s11+$0x60] =	vst v9  }
0x14f: {  	[tilespmem:s23+$0xFFFFFF80] =	vst v10;
	v10 =	vadd.s32 $0x80, v13;
	v12 =	vshll.u32 v12, $0x7;
	v9 =	vld [tilespmem:s20+$0x70]  }
0x150: {  	v14 =	vld [tilespmem:s21+$0xFFFFFF90];
	[tilespmem:s19+$0xFFFFFFA0] =	vst v10;
	v10 =	vadd.s32 $0x80, v12;
	v11 =	vshll.u32 v11, $0x7  }
0x151: {  	v13 =	vshll.u32 v16, $0x7;
	v12 =	vld [tilespmem:s18+$0xFFFFFFB0];
	[tilespmem:s16+$0xFFFFFFC0] =	vst v10;
	v10 =	vadd.s32 $0x80, v11  }
0x152: {  	s24 =	simm.s32 $0x6;
	v13 =	vadd.s32 $0x80, v13;
	v15 =	vshll.u32 v15, $0x7;
	v11 =	vld [tilespmem:s17+$0xFFFFFFD0];
	[tilespmem:s11+$0xFFFFFFE0] =	vst v10  }
0x153: {  	s22 =	smov.u32 s11;
	s25 =	sadd.s32 $0x100, s21;
	[tilespmem:s23+$0x10] =	vst v13;
	v15 =	vadd.s32 $0x80, v15;
	v13 =	vshll.u32 v17, $0x7;
	v10 =	vld [tilespmem:s20+$0xFFFFFFF0];
	s20 =	smov.u32 s23  }
.LBB2_19:
0x154: {  	v16 =	vld [tilespmem:s25+$0x0];
	[tilespmem:s19+$0x30] =	vst v15;
	v13 =	vadd.s32 $0x80, v13;
	v9 =	vshll.u32 v9, $0x7;
	s26 =	smov.u32 s21;
	s21 =	smov.u32 s25  }
0x155: {  	v14 =	vshll.u32 v14, $0x7;
	v15 =	vld [tilespmem:s26+$0x20];
	[tilespmem:s16+$0x50] =	vst v13;
	v9 =	vadd.s32 $0x80, v9  }
0x156: {  	v13 =	vadd.s32 $0x80, v14;
	v12 =	vshll.u32 v12, $0x7;
	v14 =	vld [tilespmem:s18+$0x40];
	[tilespmem:s22+$0x70] =	vst v9  }
0x157: {  	s24 =	sadd.s32 $0x2, s24;
	[tilespmem:s23+$0xFFFFFF90] =	vst v13;
	v9 =	vadd.s32 $0x80, v12;
	v11 =	vshll.u32 v11, $0x7;
	v12 =	vld [tilespmem:s17+$0x60]  }
0x158: {  	p0 =	slt.u32 s24, $0xE;
	v13 =	vld [tilespmem:s25+$0xFFFFFF80];
	[tilespmem:s19+$0xFFFFFFB0] =	vst v9;
	v9 =	vadd.s32 $0x80, v11;
	v10 =	vshll.u32 v10, $0x7  }
0x159: {  	v11 =	vshll.u32 v16, $0x7;
	v16 =	vld [tilespmem:s26+$0xFFFFFFA0];
	[tilespmem:s16+$0xFFFFFFD0] =	vst v9;
	v9 =	vadd.s32 $0x80, v10  }
0x15a: {  	s23 =	sadd.s32 $0x100, s23;
	v10 =	vadd.s32 $0x80, v11;
	v11 =	vshll.u32 v15, $0x7;
	v15 =	vld [tilespmem:s18+$0xFFFFFFC0];
	[tilespmem:s22+$0xFFFFFFF0] =	vst v9;
	s22 =	smov.u32 s16;
	s16 =	smov.u32 s19  }
0x15b: {  	s19 =	smov.u32 s20;
	s20 =	smov.u32 s23;
	[tilespmem:s23+$0x0] =	vst v10;
	v9 =	vadd.s32 $0x80, v11;
	v10 =	vshll.u32 v14, $0x7;
	v11 =	vld [tilespmem:s17+$0xFFFFFFE0]  }
0x15c: {  	v17 =	vld [tilespmem:s25+$0x10];
	[tilespmem:s19+$0x20] =	vst v9;
	v9 =	vadd.s32 $0x80, v10;
	v10 =	vshll.u32 v12, $0x7  }
0x15d: {  	v12 =	vshll.u32 v13, $0x7;
	v13 =	vld [tilespmem:s26+$0x30];
	[tilespmem:s16+$0x40] =	vst v9;
	v9 =	vadd.s32 $0x80, v10  }
0x15e: {  	v10 =	vadd.s32 $0x80, v12;
	v12 =	vshll.u32 v16, $0x7;
	v16 =	vld [tilespmem:s18+$0x50];
	[tilespmem:s22+$0x60] =	vst v9  }
.Ltmp14:
0x15f: {  	[tilespmem:s23+$0xFFFFFF80] =	vst v10;
	v10 =	vadd.s32 $0x80, v12;
	v12 =	vshll.u32 v15, $0x7;
	v9 =	vld [tilespmem:s17+$0x70];
	(pc) =	sbr.rel @p0 .LBB2_19-.Ltmp14, $4  }
0x160: {  	v14 =	vld [tilespmem:s25+$0xFFFFFF90];
	[tilespmem:s19+$0xFFFFFFA0] =	vst v10;
	v10 =	vadd.s32 $0x80, v12;
	v11 =	vshll.u32 v11, $0x7  }
0x161: {  	v15 =	vshll.u32 v17, $0x7;
	v12 =	vld [tilespmem:s26+$0xFFFFFFB0];
	[tilespmem:s16+$0xFFFFFFC0] =	vst v10;
	v10 =	vadd.s32 $0x80, v11  }
0x162: {  	v15 =	vadd.s32 $0x80, v15;
	v13 =	vshll.u32 v13, $0x7;
	v11 =	vld [tilespmem:s18+$0xFFFFFFD0];
	[tilespmem:s22+$0xFFFFFFE0] =	vst v10  }
0x163: {  	s25 =	sadd.s32 $0x100, s25;
	[tilespmem:s23+$0x10] =	vst v15;
	v15 =	vadd.s32 $0x80, v13;
	v13 =	vshll.u32 v16, $0x7;
	v10 =	vld [tilespmem:s17+$0xFFFFFFF0];
	s17 =	smov.u32 s18;
	s18 =	smov.u32 s26  }
0x164: {  	_ = 	snop  }
0x165: {  	v14 =	vshll.u32 v14, $0x7  }
0x166: {  	v14 =	vadd.s32 $0x80, v14  }
0x167: {  	v16 =	vld [tilespmem:s21+$0x20];
	[tilespmem:s23+$0xFFFFFF90] =	vst v14  }
0x168: {  	v14 =	vld [tilespmem:s21+$0xFFFFFFA0];
	_ =	sdelay $0x3  }
0x169: {  	v16 =	vshll.u32 v16, $0x7  }
0x16a: {  	v16 =	vadd.s32 $0x80, v16;
	v14 =	vshll.u32 v14, $0x7  }
0x16b: {  	[tilespmem:s20+$0x20] =	vst v16;
	v14 =	vadd.s32 $0x80, v14  }
0x16c: {  	v16 =	vld [tilespmem:s21+$0x30];
	[tilespmem:s20+$0xFFFFFFA0] =	vst v14  }
0x16d: {  	v14 =	vld [tilespmem:s21+$0xFFFFFFB0];
	_ =	sdelay $0x2  }
0x16e: {  	v12 =	vshll.u32 v12, $0x7  }
0x16f: {  	[tilespmem:s19+$0x30] =	vst v15;
	v12 =	vadd.s32 $0x80, v12;
	v44 =	vshll.u32 v16, $0x7  }
0x170: {  	v45 =	vld [tilespmem:s18+$0x40];
	[tilespmem:s19+$0xFFFFFFB0] =	vst v12;
	v46 =	vadd.s32 $0x80, v44;
	v14 =	vshll.u32 v14, $0x7  }
0x171: {  	v47 =	vld [tilespmem:s18+$0xFFFFFFC0];
	[tilespmem:s20+$0x30] =	vst v46;
	v48 =	vadd.s32 $0x80, v14  }
0x172: {  	v49 =	vld [tilespmem:s21+$0x40];
	[tilespmem:s20+$0xFFFFFFB0] =	vst v48  }
0x173: {  	v12 =	vld [tilespmem:s21+$0xFFFFFFC0];
	_ =	sdelay $0x1  }
0x174: {  	v16 =	vshll.u32 v45, $0x7  }
0x175: {  	v15 =	vshll.u32 v47, $0x7;
	v16 =	vadd.s32 $0x80, v16  }
0x176: {  	v15 =	vadd.s32 $0x80, v15;
	[tilespmem:s19+$0x40] =	vst v16;
	v14 =	vshll.u32 v49, $0x7  }
0x177: {  	[tilespmem:s19+$0xFFFFFFC0] =	vst v15;
	v16 =	vld [tilespmem:s18+$0x50];
	v14 =	vadd.s32 $0x80, v14;
	v12 =	vshll.u32 v12, $0x7  }
0x178: {  	v15 =	vld [tilespmem:s18+$0xFFFFFFD0];
	[tilespmem:s20+$0x40] =	vst v14;
	v12 =	vadd.s32 $0x80, v12  }
0x179: {  	v14 =	vld [tilespmem:s21+$0x50];
	[tilespmem:s20+$0xFFFFFFC0] =	vst v12  }
0x17a: {  	v12 =	vld [tilespmem:s21+$0xFFFFFFD0]  }
0x17b: {  	v13 =	vadd.s32 $0x80, v13;
	v11 =	vshll.u32 v11, $0x7  }
0x17c: {  	[tilespmem:s16+$0x50] =	vst v13;
	v11 =	vadd.s32 $0x80, v11;
	v50 =	vshll.u32 v16, $0x7  }
0x17d: {  	v51 =	vld [tilespmem:s17+$0x60];
	[tilespmem:s16+$0xFFFFFFD0] =	vst v11;
	v52 =	vshll.u32 v15, $0x7;
	v11 =	vadd.s32 $0x80, v50  }
0x17e: {  	v53 =	vld [tilespmem:s17+$0xFFFFFFE0];
	[tilespmem:s19+$0x50] =	vst v11;
	v11 =	vadd.s32 $0x80, v52;
	v54 =	vshll.u32 v14, $0x7  }
0x17f: {  	v55 =	vld [tilespmem:s18+$0x60];
	[tilespmem:s19+$0xFFFFFFD0] =	vst v11;
	v11 =	vadd.s32 $0x80, v54;
	v12 =	vshll.u32 v12, $0x7  }
0x180: {  	v56 =	vld [tilespmem:s18+$0xFFFFFFE0];
	[tilespmem:s20+$0x50] =	vst v11;
	v11 =	vadd.s32 $0x80, v12  }
0x181: {  	v57 =	vld [tilespmem:s21+$0x60];
	[tilespmem:s20+$0xFFFFFFD0] =	vst v11  }
0x182: {  	v11 =	vshll.u32 v51, $0x7;
	v58 =	vld [tilespmem:s21+$0xFFFFFFE0]  }
0x183: {  	v15 =	vshll.u32 v53, $0x7;
	v11 =	vadd.s32 $0x80, v11  }
0x184: {  	v14 =	vshll.u32 v55, $0x7;
	[tilespmem:s16+$0x60] =	vst v11;
	v11 =	vadd.s32 $0x80, v15  }
0x185: {  	v14 =	vadd.s32 $0x80, v14;
	v13 =	vshll.u32 v56, $0x7;
	[tilespmem:s16+$0xFFFFFFE0] =	vst v11;
	v11 =	vld [tilespmem:s17+$0x70]  }
0x186: {  	[tilespmem:s19+$0x60] =	vst v14;
	v13 =	vadd.s32 $0x80, v13;
	v12 =	vshll.u32 v57, $0x7;
	v59 =	vld [tilespmem:s17+$0xFFFFFFF0]  }
0x187: {  	[tilespmem:s19+$0xFFFFFFE0] =	vst v13;
	v60 =	vld [tilespmem:s18+$0x70];
	v12 =	vadd.s32 $0x80, v12;
	v61 =	vshll.u32 v58, $0x7  }
0x188: {  	v9 =	vshll.u32 v9, $0x7;
	v62 =	vld [tilespmem:s18+$0xFFFFFFF0];
	[tilespmem:s20+$0x60] =	vst v12;
	v15 =	vadd.s32 $0x80, v61  }
0x189: {  	v9 =	vadd.s32 $0x80, v9;
	v10 =	vshll.u32 v10, $0x7;
	v63 =	vld [tilespmem:s21+$0x70];
	[tilespmem:s20+$0xFFFFFFE0] =	vst v15  }
0x18a: {  	[tilespmem:s22+$0x70] =	vst v9;
	v9 =	vadd.s32 $0x80, v10;
	v10 =	vshll.u32 v11, $0x7;
	v11 =	vld [tilespmem:s21+$0xFFFFFFF0]  }
0x18b: {  	[tilespmem:s22+$0xFFFFFFF0] =	vst v9;
	v9 =	vadd.s32 $0x80, v10;
	v10 =	vshll.u32 v59, $0x7  }
0x18c: {  	[tilespmem:s16+$0x70] =	vst v9;
	v9 =	vadd.s32 $0x80, v10;
	v10 =	vshll.u32 v60, $0x7  }
.Ltmp15:
0x18d: {  	[tilespmem:s16+$0xFFFFFFF0] =	vst v9;
	v9 =	vadd.s32 $0x80, v10;
	v10 =	vshll.u32 v62, $0x7;
	(pc) =	sbr.rel .LBB2_21-.Ltmp15, $4  }
0x18e: {  	[tilespmem:s19+$0x70] =	vst v9;
	v9 =	vadd.s32 $0x80, v10;
	v10 =	vshll.u32 v63, $0x7  }
0x18f: {  	[tilespmem:s19+$0xFFFFFFF0] =	vst v9;
	v9 =	vadd.s32 $0x80, v10;
	v10 =	vshll.u32 v11, $0x7  }
0x190: {  	[tilespmem:s20+$0x70] =	vst v9;
	v9 =	vadd.s32 $0x80, v10  }
0x191: {  	[tilespmem:s20+$0xFFFFFFF0] =	vst v9  }
.LBB2_4:
0x192: {  	v9 =	vmov s17  }
0x193: {  	[tilespmem:s11+$0xFFFFFF80] =	vst v9  }
0x194: {  	[tilespmem:s11+$0x70] =	vst v9  }
0x195: {  	[tilespmem:s11+$0x60] =	vst v9  }
0x196: {  	[tilespmem:s11+$0x50] =	vst v9  }
0x197: {  	[tilespmem:s11+$0x40] =	vst v9  }
0x198: {  	[tilespmem:s11+$0x30] =	vst v9  }
0x199: {  	[tilespmem:s11+$0x20] =	vst v9  }
0x19a: {  	[tilespmem:s11+$0x10] =	vst v9  }
0x19b: {  	[tilespmem:s11+$0x0] =	vst v9  }
0x19c: {  	[tilespmem:s11+$0xFFFFFFF0] =	vst v9  }
0x19d: {  	[tilespmem:s11+$0xFFFFFFE0] =	vst v9  }
0x19e: {  	[tilespmem:s11+$0xFFFFFFD0] =	vst v9  }
0x19f: {  	[tilespmem:s11+$0xFFFFFFC0] =	vst v9  }
0x1a0: {  	[tilespmem:s11+$0xFFFFFFB0] =	vst v9  }
0x1a1: {  	s16 =	simm.s32 $0x0;
	s17 =	smov.u32 s11;
	[tilespmem:s11+$0xFFFFFFA0] =	vst v9  }
.LBB2_5:
0x1a2: {  	s16 =	sadd.s32 $0x2, s16;
	[tilespmem:s17+$0xFFFFFF90] =	vst v9;
	s17 =	sadd.s32 $0x100, s17  }
0x1a3: {  	[tilespmem:s17+$0xFFFFFF80] =	vst v9;
	p0 =	slt.u32 s16, $0xE  }
0x1a4: {  	[tilespmem:s17+$0x70] =	vst v9  }
0x1a5: {  	[tilespmem:s17+$0x60] =	vst v9  }
0x1a6: {  	[tilespmem:s17+$0x50] =	vst v9  }
0x1a7: {  	[tilespmem:s17+$0x40] =	vst v9  }
0x1a8: {  	[tilespmem:s17+$0x30] =	vst v9  }
0x1a9: {  	[tilespmem:s17+$0x20] =	vst v9  }
0x1aa: {  	[tilespmem:s17+$0x10] =	vst v9  }
0x1ab: {  	[tilespmem:s17+$0x0] =	vst v9  }
0x1ac: {  	[tilespmem:s17+$0xFFFFFFF0] =	vst v9  }
.Ltmp16:
0x1ad: {  	[tilespmem:s17+$0xFFFFFFE0] =	vst v9;
	(pc) =	sbr.rel @p0 .LBB2_5-.Ltmp16, $4  }
0x1ae: {  	[tilespmem:s17+$0xFFFFFFD0] =	vst v9  }
0x1af: {  	[tilespmem:s17+$0xFFFFFFC0] =	vst v9  }
0x1b0: {  	[tilespmem:s17+$0xFFFFFFB0] =	vst v9  }
0x1b1: {  	[tilespmem:s17+$0xFFFFFFA0] =	vst v9  }
.Ltmp17:
0x1b2: {  	(pc) =	sbr.rel .LBB2_21-.Ltmp17, $2  }
0x1b3: {  	_ =	sdelay $0x2  }
0x1b4: {  	[tilespmem:s17+$0xFFFFFF90] =	vst v9  }
.LBB2_23:
0x1b5: {  	_ =	sfence.sel $0x180000  }
0x1b6: {  	[bflag:$0x0] =	sbarrier.arrive $0xFFFF  }
0x1b7: {  	p0 =	sne.s32 s0, $0x0;
	_ =	strace $0x90000047  }
0x1b8: {  	s0 =	sadd.s32 @!p0 $0x100000, s1;
	[bflag:$0x2] =	sbarrier.arrive $0xFFFF  }
0x1b9: {  	[sflag:s0] =	ssyncadd.tile.s32 @!p0 $0x1;
	_ =	shalt  }
.Lfunc_end2:
_tile_overlayer_lowered:
.L_overlay_start_2:
0x1ba: {  	(tag) =	ssettag $0x2  }
0x1bb: {  	s0 =	rddreg [dreg:$0x0];
	s2 =	stileid.u32  }
0x1bc: {  	s1 =	rddreg [dreg:$0x1];
	p0 =	sne.s32 s2, $0x0  }
0x1bd: {  	s3 =	rddreg [dreg:$0x2];
	[bflag:$0x3] =	sbarrier.arrive $0xFFFF;
	s2 =	simm.s32 @!p0 $0x1C03  }
0x1be: {  	[timem:s3], [sflag:s2] =	dma.local @!p0 [hbm:s0], s1  }
0x1bf: {  	s0 =	simm.s32 @!p0 $0x3  }
0x1c0: {  	_ =	swait.ge @!p0 [sflag:s0], s1  }
0x1c1: {  	s1 =	ssub.s32 @!p0 $0x0, s1;
	[sflag:s0] =	ssyncset.done @!p0 $0x0  }
0x1c2: {  	[sflag:s0] =	ssyncadd.s32 @!p0 s1  }
0x1c3: {  	[bflag:$0x3] =	sbarrier.arrive $0xFFFF  }
0x1c4: {  	_ =	shalt  }

</sc_bundles>
